<compile_context>
chip_gen: v7x
topology: tpu7x:2x2x1
jax: 0.10.2.dev20260603
libtpu: 0.0.44.dev20260713+nightly
codegen_flags: <defaults>
</compile_context>

<pallas_src>
import dataclasses
import functools

import jax
import jax.numpy as jnp
from jax import lax
from jax.experimental import pallas as pl
from jax.experimental.pallas import tpu as pltpu
from jax.experimental.pallas import tpu_sc as plsc

L = 16
NC = 128
BP = 2


def kernel(t, permutations):
    b, h, n, d = t.shape
    perms = permutations[:, :n]

    tT = jnp.transpose(t, (0, 1, 3, 2))
    pT = jnp.transpose(perms, (0, 2, 1))

    mesh = plsc.VectorSubcoreMesh(core_axis_name="c", subcore_axis_name="s")
    cp = pltpu.CompilerParams()
    if "needs_layout_passes" in pltpu.CompilerParams.__dataclass_fields__:
        cp = dataclasses.replace(cp, needs_layout_passes=False)
    if "use_tc_tiling_on_sc" in pltpu.CompilerParams.__dataclass_fields__:
        cp = dataclasses.replace(cp, use_tc_tiling_on_sc=True)

    @functools.partial(
        pl.kernel,
        out_type=jax.ShapeDtypeStruct(tT.shape, tT.dtype),
        mesh=mesh,
        compiler_params=cp,
    )
    def run(t_hbm, p_hbm, o_hbm):
        def body(t_v, p_v, o_v):
            cols = [lax.iota(jnp.int32, L) + q * L for q in range(NC // L)]

            @plsc.parallel_loop(0, d, unroll=4)
            def _(j):
                for q in range(NC // L):
                    rows = p_v[0, j, pl.ds(q * L, L)]
                    for bb in range(BP):
                        vals = plsc.load_gather(t_v.at[bb, 0], [rows, cols[q]])
                        o_v[bb, 0, j, pl.ds(q * L, L)] = vals

        pltpu.emit_pipeline(
            body,
            grid=(h, n // NC, b // BP),
            in_specs=[
                pl.BlockSpec((BP, 1, d, NC), lambda i, j, k: (k, i, 0, j)),
                pl.BlockSpec((1, d, NC), lambda i, j, k: (i, 0, j)),
            ],
            out_specs=[
                pl.BlockSpec((BP, 1, d, NC), lambda i, j, k: (k, i, 0, j)),
            ],
            core_axis_name=("c", "s"),
            dimension_semantics=(pltpu.PARALLEL, pltpu.PARALLEL, pltpu.PARALLEL),
        )(t_hbm, p_hbm, o_hbm)

    return jnp.transpose(run(tT, pT), (0, 1, 3, 2))

# --- scband reference (transcript-rebuilt; emitter-appended) ---
"""Pipeline reference for scband-position-permutator-68401649156635 (READ-ONLY COPY).

The authoritative reference and input builder live on the scoring server;
editing this copy changes nothing except your own understanding.
"""

import jax, jax.numpy as jnp
import numpy as np

HEADS = 16
MAX_SEQ_LEN = 8192
DIM_HEAD = 64


def _build_permutations(heads, max_seq_len, dim_head):
    # Mirrors torch init: base permutations composed iteratively over seq positions.
    rng = np.random.default_rng(0)
    base = np.stack([rng.permutation(dim_head) for _ in range(heads)])  # [h, d]
    seq_perms = [base]
    for _ in range(max_seq_len - 1):
        curr = seq_perms[-1]
        nxt = np.take_along_axis(curr, base, axis=-1)
        seq_perms.append(nxt)
    return np.stack(seq_perms, axis=1)  # [h, max_seq_len, d]


def setup_inputs(seed: int = 0) -> dict:
    key = jax.random.key(seed)
    b, h, n, d = 4, HEADS, 8192, DIM_HEAD
    t = jax.random.normal(key, (b, h, n, d), dtype=jnp.float32)
    permutations = jnp.asarray(_build_permutations(HEADS, MAX_SEQ_LEN, DIM_HEAD), dtype=jnp.int32)
    return {"t": t, "permutations": permutations}


def reference(t, permutations):
    b, h, n, d = t.shape
    # permutations: [h, max_seq_len, d] -> slice to current seq len, broadcast over batch
    perms = permutations[:, :n]  # [h, n, d]
    perms = jnp.broadcast_to(perms[None, :, :, :], (b, h, n, d))
    permuted_t = jnp.take_along_axis(t, perms, axis=-1)
    return permuted_t

if __name__ == "__main__":
    import jax
    _d = setup_inputs()
    print(jax.jit(kernel)(*tuple(_d.values())))

</pallas_src>

<mosaic_0001>
#map = affine_map<(d0, d1) -> (0, 0, 0, 0)>
#map1 = affine_map<(d0, d1) -> (0, 0, 0)>
module attributes {stable_mosaic.version = 14 : i64} {
  func.func @run(%arg0: i32, %arg1: i32, %arg2: memref<4x16x64x8192xf32, #tpu.memory_space<hbm>>, %arg3: memref<16x64x8192xi32, #tpu.memory_space<hbm>>, %arg4: memref<4x16x64x8192xf32, #tpu.memory_space<hbm>>) attributes {dimension_semantics = [#tpu.dimension_semantics<core_parallel>, #tpu.dimension_semantics<subcore_parallel>], iteration_bounds = array<i64: 2, 16>, scalar_prefetch = 0 : i64, scratch_operands = 0 : i64, tpu.core_type = #tpu.core_type<sc_vector_subcore>, window_params = [{transform_indices = #map}, {transform_indices = #map1}, {transform_indices = #map}]} {
    %mul3A = arith.constant 1 : i32
    %mul3A_0 = arith.muli %arg1, %mul3A : i32
    %add3A = arith.constant 0 : i32
    %add3A_1 = arith.addi %add3A, %mul3A_0 : i32
    %mul3A_2 = arith.constant 16 : i32
    %mul3A_3 = arith.muli %arg0, %mul3A_2 : i32
    %add3A_4 = arith.addi %add3A_1, %mul3A_3 : i32
    %mul3A_5 = arith.constant 2 : i32
    %mul3A_6 = arith.muli %add3A_4, %mul3A_5 : i32
    "tpu.region"() ({
      %run_scoped3A = memref.alloca() : memref<2x2x1x64x128xf32, #tpu.memory_space<vmem>>
      %run_scoped3A_7 = tpu.sem_alloc : memref<2x!tpu.dma_semaphore, #tpu.memory_space<semaphore_mem>>
      %run_scoped3A_8 = memref.alloca() : memref<2x1x64x128xi32, #tpu.memory_space<vmem>>
      %run_scoped3A_9 = tpu.sem_alloc : memref<2x!tpu.dma_semaphore, #tpu.memory_space<semaphore_mem>>
      %run_scoped3A_10 = memref.alloca() : memref<2x2x1x64x128xf32, #tpu.memory_space<vmem>>
      %run_scoped3A_11 = tpu.sem_alloc : memref<2x!tpu.dma_semaphore, #tpu.memory_space<semaphore_mem>>
      %add3A_12 = arith.constant 0 : i32
      %add3A_13 = arith.addi %add3A_12, %mul3A_6 : i32
      %select_n3A = arith.constant true
      %select_n3A_14 = arith.constant 0 : i32
      %select_n3A_15 = arith.constant -1 : i32
      %select_n3A_16 = arith.select %select_n3A, %select_n3A_15, %select_n3A_14 : i32
      %eq3A = arith.constant -1 : i32
      %eq3A_17 = arith.cmpi eq, %select_n3A_16, %eq3A : i32
      %select_n3A_18 = arith.constant 1 : i32
      %select_n3A_19 = arith.select %eq3A_17, %select_n3A_18, %select_n3A_16 : i32
      %select_n3A_20 = arith.constant 0 : i32
      %select_n3A_21 = arith.constant -1 : i32
      %select_n3A_22 = arith.select %eq3A_17, %select_n3A_21, %select_n3A_20 : i32
      %eq3A_23 = arith.constant -1 : i32
      %eq3A_24 = arith.cmpi eq, %select_n3A_22, %eq3A_23 : i32
      %select_n3A_25 = arith.constant 1 : i32
      %select_n3A_26 = arith.select %eq3A_24, %select_n3A_25, %select_n3A_22 : i32
      %select_n3A_27 = arith.constant 0 : i32
      %select_n3A_28 = arith.constant -1 : i32
      %select_n3A_29 = arith.select %eq3A_24, %select_n3A_28, %select_n3A_27 : i32
      %eq3A_30 = arith.constant -1 : i32
      %eq3A_31 = arith.cmpi eq, %select_n3A_29, %eq3A_30 : i32
      %select_n3A_32 = arith.constant 15 : i32
      %select_n3A_33 = arith.select %eq3A_31, %select_n3A_32, %select_n3A_29 : i32
      %add3A_34 = arith.constant 0 : i32
      %add3A_35 = arith.addi %select_n3A_33, %add3A_34 : i32
      %add3A_36 = arith.addi %select_n3A_26, %mul3A_6 : i32
      %add3A_37 = arith.constant 0 : i32
      %add3A_38 = arith.addi %select_n3A_19, %add3A_37 : i32
      %select_n3A_39 = arith.constant true
      %select_n3A_40 = arith.constant 0 : i32
      %select_n3A_41 = arith.constant 1 : i32
      %select_n3A_42 = arith.select %select_n3A_39, %select_n3A_41, %select_n3A_40 : i32
      %eq3A_43 = arith.constant 2 : i32
      %eq3A_44 = arith.cmpi eq, %select_n3A_42, %eq3A_43 : i32
      %select_n3A_45 = arith.constant 0 : i32
      %select_n3A_46 = arith.select %eq3A_44, %select_n3A_45, %select_n3A_42 : i32
      %select_n3A_47 = arith.constant 0 : i32
      %select_n3A_48 = arith.constant 1 : i32
      %select_n3A_49 = arith.select %eq3A_44, %select_n3A_48, %select_n3A_47 : i32
      %eq3A_50 = arith.constant 2 : i32
      %eq3A_51 = arith.cmpi eq, %select_n3A_49, %eq3A_50 : i32
      %select_n3A_52 = arith.constant 0 : i32
      %select_n3A_53 = arith.select %eq3A_51, %select_n3A_52, %select_n3A_49 : i32
      %select_n3A_54 = arith.constant 0 : i32
      %select_n3A_55 = arith.constant 1 : i32
      %select_n3A_56 = arith.select %eq3A_51, %select_n3A_55, %select_n3A_54 : i32
      %eq3A_57 = arith.constant 16 : i32
      %eq3A_58 = arith.cmpi eq, %select_n3A_56, %eq3A_57 : i32
      %select_n3A_59 = arith.constant 0 : i32
      %select_n3A_60 = arith.select %eq3A_58, %select_n3A_59, %select_n3A_56 : i32
      %add3A_61 = arith.constant 0 : i32
      %add3A_62 = arith.addi %select_n3A_60, %add3A_61 : i32
      %add3A_63 = arith.addi %select_n3A_53, %mul3A_6 : i32
      %add3A_64 = arith.constant 0 : i32
      %add3A_65 = arith.addi %select_n3A_46, %add3A_64 : i32
      %add3A_66 = arith.constant 1 : i32
      %add3A_67 = arith.addi %select_n3A_46, %add3A_66 : i32
      %select_n3A_68 = arith.constant true
      %select_n3A_69 = arith.select %select_n3A_68, %add3A_67, %select_n3A_46 : i32
      %eq3A_70 = arith.constant 2 : i32
      %eq3A_71 = arith.cmpi eq, %select_n3A_69, %eq3A_70 : i32
      %select_n3A_72 = arith.constant 0 : i32
      %select_n3A_73 = arith.select %eq3A_71, %select_n3A_72, %select_n3A_69 : i32
      %add3A_74 = arith.constant 1 : i32
      %add3A_75 = arith.addi %select_n3A_53, %add3A_74 : i32
      %select_n3A_76 = arith.select %eq3A_71, %add3A_75, %select_n3A_53 : i32
      %eq3A_77 = arith.constant 2 : i32
      %eq3A_78 = arith.cmpi eq, %select_n3A_76, %eq3A_77 : i32
      %select_n3A_79 = arith.constant 0 : i32
      %select_n3A_80 = arith.select %eq3A_78, %select_n3A_79, %select_n3A_76 : i32
      %add3A_81 = arith.constant 1 : i32
      %add3A_82 = arith.addi %select_n3A_60, %add3A_81 : i32
      %select_n3A_83 = arith.select %eq3A_78, %add3A_82, %select_n3A_60 : i32
      %eq3A_84 = arith.constant 16 : i32
      %eq3A_85 = arith.cmpi eq, %select_n3A_83, %eq3A_84 : i32
      %select_n3A_86 = arith.constant 0 : i32
      %select_n3A_87 = arith.select %eq3A_85, %select_n3A_86, %select_n3A_83 : i32
      %add3A_88 = arith.constant 0 : i32
      %add3A_89 = arith.addi %select_n3A_87, %add3A_88 : i32
      %add3A_90 = arith.addi %select_n3A_80, %mul3A_6 : i32
      %add3A_91 = arith.constant 0 : i32
      %add3A_92 = arith.addi %select_n3A_73, %add3A_91 : i32
      "tpu.trace_start"() <{level = 10 : i32, message = "ep_initialize_0"}> : () -> ()
      %rem3A = arith.constant 0 : i32
      %rem3A_93 = arith.constant 2 : i32
      %rem3A_94 = arith.remui %rem3A, %rem3A_93 : i32
      %mul3A_95 = arith.constant 128 : i32
      %mul3A_96 = arith.muli %mul3A_95, %add3A_13 : i32
      %dma_start3A = arith.constant 0 : i32
      %dma_start3A_97 = arith.constant 0 : i32
      %dma_start3A_98 = arith.constant 0 : i32
      %dma_start3A_99 = arith.constant 0 : i32
      %dma_start3A_100 = tpu.memref_slice %run_scoped3A[%rem3A_94, %dma_start3A, %dma_start3A_97, %dma_start3A_98, %dma_start3A_99] : memref<2x2x1x64x128xf32, #tpu.memory_space<vmem>> -> memref<1x2x1x64x128xf32, #tpu.memory_space<vmem>>
      %dma_start3A_101 = tpu.memref_squeeze %dma_start3A_100 : memref<1x2x1x64x128xf32, #tpu.memory_space<vmem>> -> memref<2x1x64x128xf32, #tpu.memory_space<vmem>>
      %dma_start3A_102 = arith.constant 0 : i32
      %dma_start3A_103 = arith.constant 0 : i32
      %dma_start3A_104 = arith.constant 0 : i32
      %dma_start3A_105 = tpu.memref_slice %arg2[%dma_start3A_102, %dma_start3A_103, %dma_start3A_104, %mul3A_96] : memref<4x16x64x8192xf32, #tpu.memory_space<hbm>> -> memref<2x1x64x128xf32, #tpu.memory_space<hbm>>
      %dma_start3A_106 = tpu.memref_slice %run_scoped3A_7[%rem3A_94] : memref<2x!tpu.dma_semaphore, #tpu.memory_space<semaphore_mem>> -> memref<1x!tpu.dma_semaphore, #tpu.memory_space<semaphore_mem>>
      %dma_start3A_107 = tpu.memref_squeeze %dma_start3A_106 : memref<1x!tpu.dma_semaphore, #tpu.memory_space<semaphore_mem>> -> memref<!tpu.dma_semaphore, #tpu.memory_space<semaphore_mem>>
      %dma_start3A_108 = arith.constant 0 : i32
      %dma_start3A_109 = arith.constant 0 : i32
      %dma_start3A_110 = arith.constant 0 : i32
      %dma_start3A_111 = arith.constant 0 : i32
      %dma_start3A_112 = tpu.memref_slice %run_scoped3A[%rem3A_94, %dma_start3A_108, %dma_start3A_109, %dma_start3A_110, %dma_start3A_111] : memref<2x2x1x64x128xf32, #tpu.memory_space<vmem>> -> memref<1x2x1x64x128xf32, #tpu.memory_space<vmem>>
      %dma_start3A_113 = tpu.memref_squeeze %dma_start3A_112 : memref<1x2x1x64x128xf32, #tpu.memory_space<vmem>> -> memref<2x1x64x128xf32, #tpu.memory_space<vmem>>
      %dma_start3A_114 = arith.constant 0 : i32
      %dma_start3A_115 = arith.constant 0 : i32
      %dma_start3A_116 = arith.constant 0 : i32
      %dma_start3A_117 = tpu.memref_slice %arg2[%dma_start3A_114, %dma_start3A_115, %dma_start3A_116, %mul3A_96] : memref<4x16x64x8192xf32, #tpu.memory_space<hbm>> -> memref<2x1x64x128xf32, #tpu.memory_space<hbm>>
      tpu.enqueue_dma source(%dma_start3A_117 : memref<2x1x64x128xf32, #tpu.memory_space<hbm>>) target(%dma_start3A_113 : memref<2x1x64x128xf32, #tpu.memory_space<vmem>>) target_semaphore(%dma_start3A_107 : memref<!tpu.dma_semaphore, #tpu.memory_space<semaphore_mem>>)
      %add3A_118 = arith.constant 0 : i32
      %add3A_119 = arith.constant 1 : i32
      %add3A_120 = arith.addi %add3A_118, %add3A_119 : i32
      %select_n3A_121 = arith.constant true
      %select_n3A_122 = arith.constant 0 : i32
      %select_n3A_123 = arith.select %select_n3A_121, %add3A_120, %select_n3A_122 : i32
      %rem3A_124 = arith.constant 0 : i32
      %rem3A_125 = arith.constant 2 : i32
      %rem3A_126 = arith.remui %rem3A_124, %rem3A_125 : i32
      %mul3A_127 = arith.constant 128 : i32
      %mul3A_128 = arith.muli %mul3A_127, %add3A_13 : i32
      %dma_start3A_129 = arith.constant 0 : i32
      %dma_start3A_130 = arith.constant 0 : i32
      %dma_start3A_131 = arith.constant 0 : i32
      %dma_start3A_132 = tpu.memref_slice %run_scoped3A_8[%rem3A_126, %dma_start3A_129, %dma_start3A_130, %dma_start3A_131] : memref<2x1x64x128xi32, #tpu.memory_space<vmem>> -> memref<1x1x64x128xi32, #tpu.memory_space<vmem>>
      %dma_start3A_133 = tpu.memref_squeeze %dma_start3A_132 : memref<1x1x64x128xi32, #tpu.memory_space<vmem>> -> memref<1x64x128xi32, #tpu.memory_space<vmem>>
      %dma_start3A_134 = arith.constant 0 : i32
      %dma_start3A_135 = arith.constant 0 : i32
      %dma_start3A_136 = tpu.memref_slice %arg3[%dma_start3A_134, %dma_start3A_135, %mul3A_128] : memref<16x64x8192xi32, #tpu.memory_space<hbm>> -> memref<1x64x128xi32, #tpu.memory_space<hbm>>
      %dma_start3A_137 = tpu.memref_slice %run_scoped3A_9[%rem3A_126] : memref<2x!tpu.dma_semaphore, #tpu.memory_space<semaphore_mem>> -> memref<1x!tpu.dma_semaphore, #tpu.memory_space<semaphore_mem>>
      %dma_start3A_138 = tpu.memref_squeeze %dma_start3A_137 : memref<1x!tpu.dma_semaphore, #tpu.memory_space<semaphore_mem>> -> memref<!tpu.dma_semaphore, #tpu.memory_space<semaphore_mem>>
      %dma_start3A_139 = arith.constant 0 : i32
      %dma_start3A_140 = arith.constant 0 : i32
      %dma_start3A_141 = arith.constant 0 : i32
      %dma_start3A_142 = tpu.memref_slice %run_scoped3A_8[%rem3A_126, %dma_start3A_139, %dma_start3A_140, %dma_start3A_141] : memref<2x1x64x128xi32, #tpu.memory_space<vmem>> -> memref<1x1x64x128xi32, #tpu.memory_space<vmem>>
      %dma_start3A_143 = tpu.memref_squeeze %dma_start3A_142 : memref<1x1x64x128xi32, #tpu.memory_space<vmem>> -> memref<1x64x128xi32, #tpu.memory_space<vmem>>
      %dma_start3A_144 = arith.constant 0 : i32
      %dma_start3A_145 = arith.constant 0 : i32
      %dma_start3A_146 = tpu.memref_slice %arg3[%dma_start3A_144, %dma_start3A_145, %mul3A_128] : memref<16x64x8192xi32, #tpu.memory_space<hbm>> -> memref<1x64x128xi32, #tpu.memory_space<hbm>>
      tpu.enqueue_dma source(%dma_start3A_146 : memref<1x64x128xi32, #tpu.memory_space<hbm>>) target(%dma_start3A_143 : memref<1x64x128xi32, #tpu.memory_space<vmem>>) target_semaphore(%dma_start3A_138 : memref<!tpu.dma_semaphore, #tpu.memory_space<semaphore_mem>>)
      %add3A_147 = arith.constant 0 : i32
      %add3A_148 = arith.constant 1 : i32
      %add3A_149 = arith.addi %add3A_147, %add3A_148 : i32
      %select_n3A_150 = arith.constant true
      %select_n3A_151 = arith.constant 0 : i32
      %select_n3A_152 = arith.select %select_n3A_150, %add3A_149, %select_n3A_151 : i32
      "tpu.trace_stop"() : () -> ()
      %scan3A = arith.constant 0 : i32
      %scan3A_153 = arith.constant 0 : i32
      %scan3A_154 = arith.constant 0 : i32
      %scan3A_155 = arith.constant 0 : i32
      %scan3A_156 = arith.constant 0 : i32
      %scan3A_157 = arith.constant 0 : i32
      %scan3A_158 = arith.constant 0 : i32
      %scan3A_159 = arith.constant 0 : i32
      %scan3A_160 = arith.constant 64 : i32
      %scan3A_161 = arith.addi %scan3A_159, %scan3A_160 : i32
      %scan3A_162 = arith.constant 1 : i32
      %scan3A_163:9 = scf.for %scan3A_297 = %scan3A_159 to %scan3A_161 step %scan3A_162 iter_args(%scan3A_298 = %select_n3A_123, %scan3A_299 = %scan3A, %scan3A_300 = %select_n3A_152, %scan3A_301 = %scan3A_153, %scan3A_302 = %scan3A_154, %scan3A_303 = %scan3A_155, %scan3A_304 = %scan3A_156, %scan3A_305 = %scan3A_157, %scan3A_306 = %scan3A_158) -> (i32, i32, i32, i32, i32, i32, i32, i32, i32)  : i32 {
        %eq3A_307 = arith.constant 0 : i32
        %eq3A_308 = arith.cmpi eq, %scan3A_297, %eq3A_307 : i32
        %eq3A_309 = arith.constant 63 : i32
        %eq3A_310 = arith.cmpi eq, %scan3A_297, %eq3A_309 : i32
        %add3A_311 = arith.constant 0 : i32
        %add3A_312 = arith.addi %scan3A_304, %add3A_311 : i32
        %add3A_313 = arith.addi %scan3A_305, %mul3A_6 : i32
        %add3A_314 = arith.constant 0 : i32
        %add3A_315 = arith.addi %scan3A_306, %add3A_314 : i32
        %sub3A_316 = arith.constant 1 : i32
        %sub3A_317 = arith.subi %scan3A_306, %sub3A_316 : i32
        %select_n3A_318 = arith.constant true
        %select_n3A_319 = arith.select %select_n3A_318, %sub3A_317, %scan3A_306 : i32
        %eq3A_320 = arith.constant -1 : i32
        %eq3A_321 = arith.cmpi eq, %select_n3A_319, %eq3A_320 : i32
        %select_n3A_322 = arith.constant 1 : i32
        %select_n3A_323 = arith.select %eq3A_321, %select_n3A_322, %select_n3A_319 : i32
        %sub3A_324 = arith.constant 1 : i32
        %sub3A_325 = arith.subi %scan3A_305, %sub3A_324 : i32
        %select_n3A_326 = arith.select %eq3A_321, %sub3A_325, %scan3A_305 : i32
        %eq3A_327 = arith.constant -1 : i32
        %eq3A_328 = arith.cmpi eq, %select_n3A_326, %eq3A_327 : i32
        %select_n3A_329 = arith.constant 1 : i32
        %select_n3A_330 = arith.select %eq3A_328, %select_n3A_329, %select_n3A_326 : i32
        %sub3A_331 = arith.constant 1 : i32
        %sub3A_332 = arith.subi %scan3A_304, %sub3A_331 : i32
        %select_n3A_333 = arith.select %eq3A_328, %sub3A_332, %scan3A_304 : i32
        %eq3A_334 = arith.constant -1 : i32
        %eq3A_335 = arith.cmpi eq, %select_n3A_333, %eq3A_334 : i32
        %select_n3A_336 = arith.constant 15 : i32
        %select_n3A_337 = arith.select %eq3A_335, %select_n3A_336, %select_n3A_333 : i32
        %add3A_338 = arith.constant 0 : i32
        %add3A_339 = arith.addi %select_n3A_337, %add3A_338 : i32
        %add3A_340 = arith.addi %select_n3A_330, %mul3A_6 : i32
        %add3A_341 = arith.constant 0 : i32
        %add3A_342 = arith.addi %select_n3A_323, %add3A_341 : i32
        %add3A_343 = arith.constant 1 : i32
        %add3A_344 = arith.addi %scan3A_306, %add3A_343 : i32
        %select_n3A_345 = arith.constant true
        %select_n3A_346 = arith.select %select_n3A_345, %add3A_344, %scan3A_306 : i32
        %eq3A_347 = arith.constant 2 : i32
        %eq3A_348 = arith.cmpi eq, %select_n3A_346, %eq3A_347 : i32
        %select_n3A_349 = arith.constant 0 : i32
        %select_n3A_350 = arith.select %eq3A_348, %select_n3A_349, %select_n3A_346 : i32
        %add3A_351 = arith.constant 1 : i32
        %add3A_352 = arith.addi %scan3A_305, %add3A_351 : i32
        %select_n3A_353 = arith.select %eq3A_348, %add3A_352, %scan3A_305 : i32
        %eq3A_354 = arith.constant 2 : i32
        %eq3A_355 = arith.cmpi eq, %select_n3A_353, %eq3A_354 : i32
        %select_n3A_356 = arith.constant 0 : i32
        %select_n3A_357 = arith.select %eq3A_355, %select_n3A_356, %select_n3A_353 : i32
        %add3A_358 = arith.constant 1 : i32
        %add3A_359 = arith.addi %scan3A_304, %add3A_358 : i32
        %select_n3A_360 = arith.select %eq3A_355, %add3A_359, %scan3A_304 : i32
        %eq3A_361 = arith.constant 16 : i32
        %eq3A_362 = arith.cmpi eq, %select_n3A_360, %eq3A_361 : i32
        %select_n3A_363 = arith.constant 0 : i32
        %select_n3A_364 = arith.select %eq3A_362, %select_n3A_363, %select_n3A_360 : i32
        %add3A_365 = arith.constant 0 : i32
        %add3A_366 = arith.addi %select_n3A_364, %add3A_365 : i32
        %add3A_367 = arith.addi %select_n3A_357, %mul3A_6 : i32
        %add3A_368 = arith.constant 0 : i32
        %add3A_369 = arith.addi %select_n3A_350, %add3A_368 : i32
        %add3A_370 = arith.constant 1 : i32
        %add3A_371 = arith.addi %select_n3A_350, %add3A_370 : i32
        %select_n3A_372 = arith.constant true
        %select_n3A_373 = arith.select %select_n3A_372, %add3A_371, %select_n3A_350 : i32
        %eq3A_374 = arith.constant 2 : i32
        %eq3A_375 = arith.cmpi eq, %select_n3A_373, %eq3A_374 : i32
        %select_n3A_376 = arith.constant 0 : i32
        %select_n3A_377 = arith.select %eq3A_375, %select_n3A_376, %select_n3A_373 : i32
        %add3A_378 = arith.constant 1 : i32
        %add3A_379 = arith.addi %select_n3A_357, %add3A_378 : i32
        %select_n3A_380 = arith.select %eq3A_375, %add3A_379, %select_n3A_357 : i32
        %eq3A_381 = arith.constant 2 : i32
        %eq3A_382 = arith.cmpi eq, %select_n3A_380, %eq3A_381 : i32
        %select_n3A_383 = arith.constant 0 : i32
        %select_n3A_384 = arith.select %eq3A_382, %select_n3A_383, %select_n3A_380 : i32
        %add3A_385 = arith.constant 1 : i32
        %add3A_386 = arith.addi %select_n3A_364, %add3A_385 : i32
        %select_n3A_387 = arith.select %eq3A_382, %add3A_386, %select_n3A_364 : i32
        %eq3A_388 = arith.constant 16 : i32
        %eq3A_389 = arith.cmpi eq, %select_n3A_387, %eq3A_388 : i32
        %select_n3A_390 = arith.constant 0 : i32
        %select_n3A_391 = arith.select %eq3A_389, %select_n3A_390, %select_n3A_387 : i32
        %add3A_392 = arith.constant 0 : i32
        %add3A_393 = arith.addi %select_n3A_391, %add3A_392 : i32
        %add3A_394 = arith.addi %select_n3A_384, %mul3A_6 : i32
        %add3A_395 = arith.constant 0 : i32
        %add3A_396 = arith.addi %select_n3A_377, %add3A_395 : i32
        %ne3A = arith.cmpi ne, %add3A_315, %add3A_369 : i32
        %ne3A_397 = arith.cmpi ne, %add3A_312, %add3A_366 : i32
        %ne3A_398 = arith.cmpi ne, %add3A_313, %add3A_367 : i32
        %or3A = arith.constant false
        %or3A_399 = arith.ori %or3A, %ne3A : i1
        %or3A_400 = arith.ori %or3A_399, %ne3A_397 : i1
        %or3A_401 = arith.constant false
        %or3A_402 = arith.ori %or3A_400, %or3A_401 : i1
        %or3A_403 = arith.ori %or3A_402, %ne3A_398 : i1
        %ge3A = arith.constant 63 : i32
        %ge3A_404 = arith.cmpi sge, %scan3A_297, %ge3A : i32
        %not3A = arith.constant true
        %not3A_405 = arith.xori %ge3A_404, %not3A : i1
        %and3A = arith.andi %or3A_403, %not3A_405 : i1
        %convert_element_type3A = arith.extui %and3A : i1 to i32
        %cond3A = arith.constant 0 : i32
        %cond3A_406 = arith.cmpi ne, %convert_element_type3A, %cond3A : i32
        scf.if %cond3A_406 {
          "tpu.trace_start"() <{level = 10 : i32, message = "ep_copy_in"}> : () -> ()
          %rem3A_666 = arith.constant 2 : i32
          %rem3A_667 = arith.remui %scan3A_298, %rem3A_666 : i32
          %mul3A_668 = arith.constant 2 : i32
          %mul3A_669 = arith.muli %mul3A_668, %add3A_369 : i32
          %mul3A_670 = arith.constant 1 : i32
          %mul3A_671 = arith.muli %mul3A_670, %add3A_366 : i32
          %mul3A_672 = arith.constant 128 : i32
          %mul3A_673 = arith.muli %mul3A_672, %add3A_367 : i32
          %dma_start3A_674 = arith.constant 0 : i32
          %dma_start3A_675 = arith.constant 0 : i32
          %dma_start3A_676 = arith.constant 0 : i32
          %dma_start3A_677 = arith.constant 0 : i32
          %dma_start3A_678 = tpu.memref_slice %run_scoped3A[%rem3A_667, %dma_start3A_674, %dma_start3A_675, %dma_start3A_676, %dma_start3A_677] : memref<2x2x1x64x128xf32, #tpu.memory_space<vmem>> -> memref<1x2x1x64x128xf32, #tpu.memory_space<vmem>>
          %dma_start3A_679 = tpu.memref_squeeze %dma_start3A_678 : memref<1x2x1x64x128xf32, #tpu.memory_space<vmem>> -> memref<2x1x64x128xf32, #tpu.memory_space<vmem>>
          %dma_start3A_680 = arith.constant 0 : i32
          %dma_start3A_681 = tpu.memref_slice %arg2[%mul3A_669, %mul3A_671, %dma_start3A_680, %mul3A_673] : memref<4x16x64x8192xf32, #tpu.memory_space<hbm>> -> memref<2x1x64x128xf32, #tpu.memory_space<hbm>>
          %dma_start3A_682 = tpu.memref_slice %run_scoped3A_7[%rem3A_667] : memref<2x!tpu.dma_semaphore, #tpu.memory_space<semaphore_mem>> -> memref<1x!tpu.dma_semaphore, #tpu.memory_space<semaphore_mem>>
          %dma_start3A_683 = tpu.memref_squeeze %dma_start3A_682 : memref<1x!tpu.dma_semaphore, #tpu.memory_space<semaphore_mem>> -> memref<!tpu.dma_semaphore, #tpu.memory_space<semaphore_mem>>
          %dma_start3A_684 = arith.constant 0 : i32
          %dma_start3A_685 = arith.constant 0 : i32
          %dma_start3A_686 = arith.constant 0 : i32
          %dma_start3A_687 = arith.constant 0 : i32
          %dma_start3A_688 = tpu.memref_slice %run_scoped3A[%rem3A_667, %dma_start3A_684, %dma_start3A_685, %dma_start3A_686, %dma_start3A_687] : memref<2x2x1x64x128xf32, #tpu.memory_space<vmem>> -> memref<1x2x1x64x128xf32, #tpu.memory_space<vmem>>
          %dma_start3A_689 = tpu.memref_squeeze %dma_start3A_688 : memref<1x2x1x64x128xf32, #tpu.memory_space<vmem>> -> memref<2x1x64x128xf32, #tpu.memory_space<vmem>>
          %dma_start3A_690 = arith.constant 0 : i32
          %dma_start3A_691 = tpu.memref_slice %arg2[%mul3A_669, %mul3A_671, %dma_start3A_690, %mul3A_673] : memref<4x16x64x8192xf32, #tpu.memory_space<hbm>> -> memref<2x1x64x128xf32, #tpu.memory_space<hbm>>
          tpu.enqueue_dma source(%dma_start3A_691 : memref<2x1x64x128xf32, #tpu.memory_space<hbm>>) target(%dma_start3A_689 : memref<2x1x64x128xf32, #tpu.memory_space<vmem>>) target_semaphore(%dma_start3A_683 : memref<!tpu.dma_semaphore, #tpu.memory_space<semaphore_mem>>)
          "tpu.trace_stop"() : () -> ()
        } else {
        }
        %and3A_407 = arith.constant true
        %and3A_408 = arith.andi %and3A, %and3A_407 : i1
        %add3A_409 = arith.constant 1 : i32
        %add3A_410 = arith.addi %scan3A_298, %add3A_409 : i32
        %select_n3A_411 = arith.select %and3A_408, %add3A_410, %scan3A_298 : i32
        %ne3A_412 = arith.cmpi ne, %add3A_312, %add3A_366 : i32
        %ne3A_413 = arith.cmpi ne, %add3A_313, %add3A_367 : i32
        %or3A_414 = arith.constant false
        %or3A_415 = arith.ori %or3A_414, %ne3A_412 : i1
        %or3A_416 = arith.constant false
        %or3A_417 = arith.ori %or3A_415, %or3A_416 : i1
        %or3A_418 = arith.ori %or3A_417, %ne3A_413 : i1
        %ge3A_419 = arith.constant 63 : i32
        %ge3A_420 = arith.cmpi sge, %scan3A_297, %ge3A_419 : i32
        %not3A_421 = arith.constant true
        %not3A_422 = arith.xori %ge3A_420, %not3A_421 : i1
        %and3A_423 = arith.andi %or3A_418, %not3A_422 : i1
        %convert_element_type3A_424 = arith.extui %and3A_423 : i1 to i32
        %cond3A_425 = arith.constant 0 : i32
        %cond3A_426 = arith.cmpi ne, %convert_element_type3A_424, %cond3A_425 : i32
        scf.if %cond3A_426 {
          "tpu.trace_start"() <{level = 10 : i32, message = "ep_copy_in"}> : () -> ()
          %rem3A_666 = arith.constant 2 : i32
          %rem3A_667 = arith.remui %scan3A_300, %rem3A_666 : i32
          %mul3A_668 = arith.constant 1 : i32
          %mul3A_669 = arith.muli %mul3A_668, %add3A_366 : i32
          %mul3A_670 = arith.constant 128 : i32
          %mul3A_671 = arith.muli %mul3A_670, %add3A_367 : i32
          %dma_start3A_672 = arith.constant 0 : i32
          %dma_start3A_673 = arith.constant 0 : i32
          %dma_start3A_674 = arith.constant 0 : i32
          %dma_start3A_675 = tpu.memref_slice %run_scoped3A_8[%rem3A_667, %dma_start3A_672, %dma_start3A_673, %dma_start3A_674] : memref<2x1x64x128xi32, #tpu.memory_space<vmem>> -> memref<1x1x64x128xi32, #tpu.memory_space<vmem>>
          %dma_start3A_676 = tpu.memref_squeeze %dma_start3A_675 : memref<1x1x64x128xi32, #tpu.memory_space<vmem>> -> memref<1x64x128xi32, #tpu.memory_space<vmem>>
          %dma_start3A_677 = arith.constant 0 : i32
          %dma_start3A_678 = tpu.memref_slice %arg3[%mul3A_669, %dma_start3A_677, %mul3A_671] : memref<16x64x8192xi32, #tpu.memory_space<hbm>> -> memref<1x64x128xi32, #tpu.memory_space<hbm>>
          %dma_start3A_679 = tpu.memref_slice %run_scoped3A_9[%rem3A_667] : memref<2x!tpu.dma_semaphore, #tpu.memory_space<semaphore_mem>> -> memref<1x!tpu.dma_semaphore, #tpu.memory_space<semaphore_mem>>
          %dma_start3A_680 = tpu.memref_squeeze %dma_start3A_679 : memref<1x!tpu.dma_semaphore, #tpu.memory_space<semaphore_mem>> -> memref<!tpu.dma_semaphore, #tpu.memory_space<semaphore_mem>>
          %dma_start3A_681 = arith.constant 0 : i32
          %dma_start3A_682 = arith.constant 0 : i32
          %dma_start3A_683 = arith.constant 0 : i32
          %dma_start3A_684 = tpu.memref_slice %run_scoped3A_8[%rem3A_667, %dma_start3A_681, %dma_start3A_682, %dma_start3A_683] : memref<2x1x64x128xi32, #tpu.memory_space<vmem>> -> memref<1x1x64x128xi32, #tpu.memory_space<vmem>>
          %dma_start3A_685 = tpu.memref_squeeze %dma_start3A_684 : memref<1x1x64x128xi32, #tpu.memory_space<vmem>> -> memref<1x64x128xi32, #tpu.memory_space<vmem>>
          %dma_start3A_686 = arith.constant 0 : i32
          %dma_start3A_687 = tpu.memref_slice %arg3[%mul3A_669, %dma_start3A_686, %mul3A_671] : memref<16x64x8192xi32, #tpu.memory_space<hbm>> -> memref<1x64x128xi32, #tpu.memory_space<hbm>>
          tpu.enqueue_dma source(%dma_start3A_687 : memref<1x64x128xi32, #tpu.memory_space<hbm>>) target(%dma_start3A_685 : memref<1x64x128xi32, #tpu.memory_space<vmem>>) target_semaphore(%dma_start3A_680 : memref<!tpu.dma_semaphore, #tpu.memory_space<semaphore_mem>>)
          "tpu.trace_stop"() : () -> ()
        } else {
        }
        %and3A_427 = arith.constant true
        %and3A_428 = arith.andi %and3A_423, %and3A_427 : i1
        %add3A_429 = arith.constant 1 : i32
        %add3A_430 = arith.addi %scan3A_300, %add3A_429 : i32
        %select_n3A_431 = arith.select %and3A_428, %add3A_430, %scan3A_300 : i32
        %ne3A_432 = arith.cmpi ne, %add3A_315, %add3A_369 : i32
        %ne3A_433 = arith.cmpi ne, %add3A_312, %add3A_366 : i32
        %ne3A_434 = arith.cmpi ne, %add3A_313, %add3A_367 : i32
        %or3A_435 = arith.constant false
        %or3A_436 = arith.ori %or3A_435, %ne3A_432 : i1
        %or3A_437 = arith.ori %or3A_436, %ne3A_433 : i1
        %or3A_438 = arith.constant false
        %or3A_439 = arith.ori %or3A_437, %or3A_438 : i1
        %or3A_440 = arith.ori %or3A_439, %ne3A_434 : i1
        %ge3A_441 = arith.constant 63 : i32
        %ge3A_442 = arith.cmpi sge, %scan3A_297, %ge3A_441 : i32
        %not3A_443 = arith.constant true
        %not3A_444 = arith.xori %ge3A_442, %not3A_443 : i1
        %and3A_445 = arith.andi %or3A_440, %not3A_444 : i1
        %ne3A_446 = arith.cmpi ne, %add3A_315, %add3A_342 : i32
        %ne3A_447 = arith.cmpi ne, %add3A_312, %add3A_339 : i32
        %ne3A_448 = arith.cmpi ne, %add3A_313, %add3A_340 : i32
        %or3A_449 = arith.constant false
        %or3A_450 = arith.ori %or3A_449, %ne3A_446 : i1
        %or3A_451 = arith.ori %or3A_450, %ne3A_447 : i1
        %or3A_452 = arith.constant false
        %or3A_453 = arith.ori %or3A_451, %or3A_452 : i1
        %or3A_454 = arith.ori %or3A_453, %ne3A_448 : i1
        %or3A_455 = arith.ori %or3A_454, %eq3A_308 : i1
        %convert_element_type3A_456 = arith.extui %or3A_455 : i1 to i32
        %cond3A_457 = arith.constant 0 : i32
        %cond3A_458 = arith.cmpi ne, %convert_element_type3A_456, %cond3A_457 : i32
        scf.if %cond3A_458 {
          "tpu.trace_start"() <{level = 10 : i32, message = "ep_wait_in"}> : () -> ()
          %mul3A_666 = arith.constant 2 : i32
          %mul3A_667 = arith.muli %mul3A_666, %add3A_315 : i32
          %mul3A_668 = arith.constant 1 : i32
          %mul3A_669 = arith.muli %mul3A_668, %add3A_312 : i32
          %mul3A_670 = arith.constant 128 : i32
          %mul3A_671 = arith.muli %mul3A_670, %add3A_313 : i32
          %rem3A_672 = arith.constant 2 : i32
          %rem3A_673 = arith.remui %scan3A_299, %rem3A_672 : i32
          %dma_wait3A_674 = arith.constant 0 : i32
          %dma_wait3A_675 = arith.constant 0 : i32
          %dma_wait3A_676 = arith.constant 0 : i32
          %dma_wait3A_677 = arith.constant 0 : i32
          %dma_wait3A_678 = tpu.memref_slice %run_scoped3A[%rem3A_673, %dma_wait3A_674, %dma_wait3A_675, %dma_wait3A_676, %dma_wait3A_677] : memref<2x2x1x64x128xf32, #tpu.memory_space<vmem>> -> memref<1x2x1x64x128xf32, #tpu.memory_space<vmem>>
          %dma_wait3A_679 = tpu.memref_squeeze %dma_wait3A_678 : memref<1x2x1x64x128xf32, #tpu.memory_space<vmem>> -> memref<2x1x64x128xf32, #tpu.memory_space<vmem>>
          %dma_wait3A_680 = arith.constant 0 : i32
          %dma_wait3A_681 = tpu.memref_slice %arg2[%mul3A_667, %mul3A_669, %dma_wait3A_680, %mul3A_671] : memref<4x16x64x8192xf32, #tpu.memory_space<hbm>> -> memref<2x1x64x128xf32, #tpu.memory_space<hbm>>
          %dma_wait3A_682 = tpu.memref_slice %run_scoped3A_7[%rem3A_673] : memref<2x!tpu.dma_semaphore, #tpu.memory_space<semaphore_mem>> -> memref<1x!tpu.dma_semaphore, #tpu.memory_space<semaphore_mem>>
          %dma_wait3A_683 = tpu.memref_squeeze %dma_wait3A_682 : memref<1x!tpu.dma_semaphore, #tpu.memory_space<semaphore_mem>> -> memref<!tpu.dma_semaphore, #tpu.memory_space<semaphore_mem>>
          %dma_wait3A_684 = arith.constant 0 : i32
          %dma_wait3A_685 = arith.constant 0 : i32
          %dma_wait3A_686 = arith.constant 0 : i32
          %dma_wait3A_687 = arith.constant 0 : i32
          %dma_wait3A_688 = tpu.memref_slice %run_scoped3A[%rem3A_673, %dma_wait3A_684, %dma_wait3A_685, %dma_wait3A_686, %dma_wait3A_687] : memref<2x2x1x64x128xf32, #tpu.memory_space<vmem>> -> memref<1x2x1x64x128xf32, #tpu.memory_space<vmem>>
          %dma_wait3A_689 = tpu.memref_squeeze %dma_wait3A_688 : memref<1x2x1x64x128xf32, #tpu.memory_space<vmem>> -> memref<2x1x64x128xf32, #tpu.memory_space<vmem>>
          %dma_wait3A_690 = arith.constant 0 : i32
          %dma_wait3A_691 = tpu.memref_slice %arg2[%mul3A_667, %mul3A_669, %dma_wait3A_690, %mul3A_671] : memref<4x16x64x8192xf32, #tpu.memory_space<hbm>> -> memref<2x1x64x128xf32, #tpu.memory_space<hbm>>
          tpu.wait_dma2 semaphore(%dma_wait3A_683 : memref<!tpu.dma_semaphore, #tpu.memory_space<semaphore_mem>>) src(%dma_wait3A_691 : memref<2x1x64x128xf32, #tpu.memory_space<hbm>>) dst(%dma_wait3A_689 : memref<2x1x64x128xf32, #tpu.memory_space<vmem>>)
          "tpu.trace_stop"() : () -> ()
        } else {
        }
        %ne3A_459 = arith.cmpi ne, %add3A_312, %add3A_339 : i32
        %ne3A_460 = arith.cmpi ne, %add3A_313, %add3A_340 : i32
        %or3A_461 = arith.constant false
        %or3A_462 = arith.ori %or3A_461, %ne3A_459 : i1
        %or3A_463 = arith.constant false
        %or3A_464 = arith.ori %or3A_462, %or3A_463 : i1
        %or3A_465 = arith.ori %or3A_464, %ne3A_460 : i1
        %or3A_466 = arith.ori %or3A_465, %eq3A_308 : i1
        %convert_element_type3A_467 = arith.extui %or3A_466 : i1 to i32
        %cond3A_468 = arith.constant 0 : i32
        %cond3A_469 = arith.cmpi ne, %convert_element_type3A_467, %cond3A_468 : i32
        scf.if %cond3A_469 {
          "tpu.trace_start"() <{level = 10 : i32, message = "ep_wait_in"}> : () -> ()
          %mul3A_666 = arith.constant 1 : i32
          %mul3A_667 = arith.muli %mul3A_666, %add3A_312 : i32
          %mul3A_668 = arith.constant 128 : i32
          %mul3A_669 = arith.muli %mul3A_668, %add3A_313 : i32
          %rem3A_670 = arith.constant 2 : i32
          %rem3A_671 = arith.remui %scan3A_301, %rem3A_670 : i32
          %dma_wait3A_672 = arith.constant 0 : i32
          %dma_wait3A_673 = arith.constant 0 : i32
          %dma_wait3A_674 = arith.constant 0 : i32
          %dma_wait3A_675 = tpu.memref_slice %run_scoped3A_8[%rem3A_671, %dma_wait3A_672, %dma_wait3A_673, %dma_wait3A_674] : memref<2x1x64x128xi32, #tpu.memory_space<vmem>> -> memref<1x1x64x128xi32, #tpu.memory_space<vmem>>
          %dma_wait3A_676 = tpu.memref_squeeze %dma_wait3A_675 : memref<1x1x64x128xi32, #tpu.memory_space<vmem>> -> memref<1x64x128xi32, #tpu.memory_space<vmem>>
          %dma_wait3A_677 = arith.constant 0 : i32
          %dma_wait3A_678 = tpu.memref_slice %arg3[%mul3A_667, %dma_wait3A_677, %mul3A_669] : memref<16x64x8192xi32, #tpu.memory_space<hbm>> -> memref<1x64x128xi32, #tpu.memory_space<hbm>>
          %dma_wait3A_679 = tpu.memref_slice %run_scoped3A_9[%rem3A_671] : memref<2x!tpu.dma_semaphore, #tpu.memory_space<semaphore_mem>> -> memref<1x!tpu.dma_semaphore, #tpu.memory_space<semaphore_mem>>
          %dma_wait3A_680 = tpu.memref_squeeze %dma_wait3A_679 : memref<1x!tpu.dma_semaphore, #tpu.memory_space<semaphore_mem>> -> memref<!tpu.dma_semaphore, #tpu.memory_space<semaphore_mem>>
          %dma_wait3A_681 = arith.constant 0 : i32
          %dma_wait3A_682 = arith.constant 0 : i32
          %dma_wait3A_683 = arith.constant 0 : i32
          %dma_wait3A_684 = tpu.memref_slice %run_scoped3A_8[%rem3A_671, %dma_wait3A_681, %dma_wait3A_682, %dma_wait3A_683] : memref<2x1x64x128xi32, #tpu.memory_space<vmem>> -> memref<1x1x64x128xi32, #tpu.memory_space<vmem>>
          %dma_wait3A_685 = tpu.memref_squeeze %dma_wait3A_684 : memref<1x1x64x128xi32, #tpu.memory_space<vmem>> -> memref<1x64x128xi32, #tpu.memory_space<vmem>>
          %dma_wait3A_686 = arith.constant 0 : i32
          %dma_wait3A_687 = tpu.memref_slice %arg3[%mul3A_667, %dma_wait3A_686, %mul3A_669] : memref<16x64x8192xi32, #tpu.memory_space<hbm>> -> memref<1x64x128xi32, #tpu.memory_space<hbm>>
          tpu.wait_dma2 semaphore(%dma_wait3A_680 : memref<!tpu.dma_semaphore, #tpu.memory_space<semaphore_mem>>) src(%dma_wait3A_687 : memref<1x64x128xi32, #tpu.memory_space<hbm>>) dst(%dma_wait3A_685 : memref<1x64x128xi32, #tpu.memory_space<vmem>>)
          "tpu.trace_stop"() : () -> ()
        } else {
        }
        %ne3A_470 = arith.cmpi ne, %add3A_315, %add3A_342 : i32
        %ne3A_471 = arith.cmpi ne, %add3A_312, %add3A_339 : i32
        %ne3A_472 = arith.cmpi ne, %add3A_313, %add3A_340 : i32
        %or3A_473 = arith.constant false
        %or3A_474 = arith.ori %or3A_473, %ne3A_470 : i1
        %or3A_475 = arith.ori %or3A_474, %ne3A_471 : i1
        %or3A_476 = arith.constant false
        %or3A_477 = arith.ori %or3A_475, %or3A_476 : i1
        %or3A_478 = arith.ori %or3A_477, %ne3A_472 : i1
        %or3A_479 = arith.ori %or3A_478, %eq3A_308 : i1
        %convert_element_type3A_480 = arith.extui %or3A_479 : i1 to i32
        %cond3A_481 = arith.constant 0 : i32
        %cond3A_482 = arith.cmpi ne, %convert_element_type3A_480, %cond3A_481 : i32
        scf.if %cond3A_482 {
        } else {
        }
        %rem3A_483 = arith.constant 2 : i32
        %rem3A_484 = arith.remui %scan3A_299, %rem3A_483 : i32
        %rem3A_485 = arith.constant 2 : i32
        %rem3A_486 = arith.remui %scan3A_301, %rem3A_485 : i32
        %rem3A_487 = arith.constant 2 : i32
        %rem3A_488 = arith.remui %scan3A_302, %rem3A_487 : i32
        "tpu.trace_start"() <{level = 10 : i32, message = "ep_run_kernel"}> : () -> ()
        %iota3A = tpu.iota {dimensions = array<i32: 0>} : vector<16xi32>
        %add3A_489 = arith.constant 0 : i32
        %add3A_490 = vector.broadcast %add3A_489 : i32 to vector<16xi32>
        %add3A_491 = arith.addi %iota3A, %add3A_490 : vector<16xi32>
        %iota3A_492 = tpu.iota {dimensions = array<i32: 0>} : vector<16xi32>
        %add3A_493 = arith.constant 16 : i32
        %add3A_494 = vector.broadcast %add3A_493 : i32 to vector<16xi32>
        %add3A_495 = arith.addi %iota3A_492, %add3A_494 : vector<16xi32>
        %iota3A_496 = tpu.iota {dimensions = array<i32: 0>} : vector<16xi32>
        %add3A_497 = arith.constant 32 : i32
        %add3A_498 = vector.broadcast %add3A_497 : i32 to vector<16xi32>
        %add3A_499 = arith.addi %iota3A_496, %add3A_498 : vector<16xi32>
        %iota3A_500 = tpu.iota {dimensions = array<i32: 0>} : vector<16xi32>
        %add3A_501 = arith.constant 48 : i32
        %add3A_502 = vector.broadcast %add3A_501 : i32 to vector<16xi32>
        %add3A_503 = arith.addi %iota3A_500, %add3A_502 : vector<16xi32>
        %iota3A_504 = tpu.iota {dimensions = array<i32: 0>} : vector<16xi32>
        %add3A_505 = arith.constant 64 : i32
        %add3A_506 = vector.broadcast %add3A_505 : i32 to vector<16xi32>
        %add3A_507 = arith.addi %iota3A_504, %add3A_506 : vector<16xi32>
        %iota3A_508 = tpu.iota {dimensions = array<i32: 0>} : vector<16xi32>
        %add3A_509 = arith.constant 80 : i32
        %add3A_510 = vector.broadcast %add3A_509 : i32 to vector<16xi32>
        %add3A_511 = arith.addi %iota3A_508, %add3A_510 : vector<16xi32>
        %iota3A_512 = tpu.iota {dimensions = array<i32: 0>} : vector<16xi32>
        %add3A_513 = arith.constant 96 : i32
        %add3A_514 = vector.broadcast %add3A_513 : i32 to vector<16xi32>
        %add3A_515 = arith.addi %iota3A_512, %add3A_514 : vector<16xi32>
        %iota3A_516 = tpu.iota {dimensions = array<i32: 0>} : vector<16xi32>
        %add3A_517 = arith.constant 112 : i32
        %add3A_518 = vector.broadcast %add3A_517 : i32 to vector<16xi32>
        %add3A_519 = arith.addi %iota3A_516, %add3A_518 : vector<16xi32>
        %parallel_loop3A = arith.constant 0 : i32
        %parallel_loop3A_520 = arith.constant 64 : i32
        %parallel_loop3A_521 = arith.constant 1 : i32
        scf.for %parallel_loop3A_666 = %parallel_loop3A to %parallel_loop3A_520 step %parallel_loop3A_521  : i32 {
          %parallel_loop3A_667 = arith.constant 0 : i32
          %parallel_loop3A_668 = arith.constant 0 : i32
          %parallel_loop3A_669 = arith.constant 0 : i32
          %parallel_loop3A_670 = arith.constant 0 : i32
          %parallel_loop3A_671 = tpu.memref_slice %run_scoped3A_8[%rem3A_486, %parallel_loop3A_668, %parallel_loop3A_669, %parallel_loop3A_670] : memref<2x1x64x128xi32, #tpu.memory_space<vmem>> -> memref<1x1x64x128xi32, #tpu.memory_space<vmem>>
          %parallel_loop3A_672 = tpu.memref_squeeze %parallel_loop3A_671 : memref<1x1x64x128xi32, #tpu.memory_space<vmem>> -> memref<1x64x128xi32, #tpu.memory_space<vmem>>
          %parallel_loop3A_673 = arith.index_cast %parallel_loop3A_667 : i32 to index
          %parallel_loop3A_674 = arith.index_cast %parallel_loop3A_666 : i32 to index
          %parallel_loop3A_675 = arith.constant 0 : index
          %parallel_loop3A_676 = tpu.vector_load %parallel_loop3A_672[%parallel_loop3A_673, %parallel_loop3A_674, %parallel_loop3A_675] {strides = array<i32>} : memref<1x64x128xi32, #tpu.memory_space<vmem>>, vector<16xi32>,
          %parallel_loop3A_677 = arith.constant 0 : i32
          %parallel_loop3A_678 = arith.constant 0 : i32
          %parallel_loop3A_679 = arith.constant 0 : i32
          %parallel_loop3A_680 = arith.constant 0 : i32
          %parallel_loop3A_681 = arith.constant 0 : i32
          %parallel_loop3A_682 = arith.constant 0 : i32
          %parallel_loop3A_683 = tpu.memref_slice %run_scoped3A[%rem3A_484, %parallel_loop3A_679, %parallel_loop3A_680, %parallel_loop3A_681, %parallel_loop3A_682] : memref<2x2x1x64x128xf32, #tpu.memory_space<vmem>> -> memref<1x2x1x64x128xf32, #tpu.memory_space<vmem>>
          %parallel_loop3A_684 = tpu.memref_squeeze %parallel_loop3A_683 : memref<1x2x1x64x128xf32, #tpu.memory_space<vmem>> -> memref<2x1x64x128xf32, #tpu.memory_space<vmem>>
          %parallel_loop3A_685 = arith.constant 0 : i32
          %parallel_loop3A_686 = arith.constant 0 : i32
          %parallel_loop3A_687 = tpu.memref_slice %parallel_loop3A_684[%parallel_loop3A_677, %parallel_loop3A_678, %parallel_loop3A_685, %parallel_loop3A_686] : memref<2x1x64x128xf32, #tpu.memory_space<vmem>> -> memref<1x1x64x128xf32, #tpu.memory_space<vmem>>
          %parallel_loop3A_688 = tpu.memref_squeeze %parallel_loop3A_687 : memref<1x1x64x128xf32, #tpu.memory_space<vmem>> -> memref<64x128xf32, #tpu.memory_space<vmem>>
          %parallel_loop3A_689 = tpu.vector_load_idx %parallel_loop3A_688[%parallel_loop3A_676, %add3A_491] : memref<64x128xf32, #tpu.memory_space<vmem>>[vector<16xi32>, vector<16xi32>], vector<16xf32>,
          %parallel_loop3A_690 = arith.constant 0 : i32
          %parallel_loop3A_691 = arith.constant 0 : i32
          %parallel_loop3A_692 = arith.constant 0 : i32
          %parallel_loop3A_693 = arith.constant 0 : i32
          %parallel_loop3A_694 = arith.constant 0 : i32
          %parallel_loop3A_695 = arith.constant 0 : i32
          %parallel_loop3A_696 = tpu.memref_slice %run_scoped3A_10[%rem3A_488, %parallel_loop3A_692, %parallel_loop3A_693, %parallel_loop3A_694, %parallel_loop3A_695] : memref<2x2x1x64x128xf32, #tpu.memory_space<vmem>> -> memref<1x2x1x64x128xf32, #tpu.memory_space<vmem>>
          %parallel_loop3A_697 = tpu.memref_squeeze %parallel_loop3A_696 : memref<1x2x1x64x128xf32, #tpu.memory_space<vmem>> -> memref<2x1x64x128xf32, #tpu.memory_space<vmem>>
          %parallel_loop3A_698 = arith.index_cast %parallel_loop3A_690 : i32 to index
          %parallel_loop3A_699 = arith.index_cast %parallel_loop3A_691 : i32 to index
          %parallel_loop3A_700 = arith.index_cast %parallel_loop3A_666 : i32 to index
          %parallel_loop3A_701 = arith.constant 0 : index
          %parallel_loop3A_702 = tpu.vector_load %parallel_loop3A_697[%parallel_loop3A_698, %parallel_loop3A_699, %parallel_loop3A_700, %parallel_loop3A_701] {strides = array<i32>} : memref<2x1x64x128xf32, #tpu.memory_space<vmem>>, vector<16xf32>,
          tpu.vector_store %parallel_loop3A_697[%parallel_loop3A_698, %parallel_loop3A_699, %parallel_loop3A_700, %parallel_loop3A_701], %parallel_loop3A_689 {strides = array<i32>} : memref<2x1x64x128xf32, #tpu.memory_space<vmem>>, vector<16xf32>,
          %parallel_loop3A_703 = arith.constant 1 : i32
          %parallel_loop3A_704 = arith.constant 0 : i32
          %parallel_loop3A_705 = arith.constant 0 : i32
          %parallel_loop3A_706 = arith.constant 0 : i32
          %parallel_loop3A_707 = arith.constant 0 : i32
          %parallel_loop3A_708 = arith.constant 0 : i32
          %parallel_loop3A_709 = tpu.memref_slice %run_scoped3A[%rem3A_484, %parallel_loop3A_705, %parallel_loop3A_706, %parallel_loop3A_707, %parallel_loop3A_708] : memref<2x2x1x64x128xf32, #tpu.memory_space<vmem>> -> memref<1x2x1x64x128xf32, #tpu.memory_space<vmem>>
          %parallel_loop3A_710 = tpu.memref_squeeze %parallel_loop3A_709 : memref<1x2x1x64x128xf32, #tpu.memory_space<vmem>> -> memref<2x1x64x128xf32, #tpu.memory_space<vmem>>
          %parallel_loop3A_711 = arith.constant 0 : i32
          %parallel_loop3A_712 = arith.constant 0 : i32
          %parallel_loop3A_713 = tpu.memref_slice %parallel_loop3A_710[%parallel_loop3A_703, %parallel_loop3A_704, %parallel_loop3A_711, %parallel_loop3A_712] : memref<2x1x64x128xf32, #tpu.memory_space<vmem>> -> memref<1x1x64x128xf32, #tpu.memory_space<vmem>>
          %parallel_loop3A_714 = tpu.memref_squeeze %parallel_loop3A_713 : memref<1x1x64x128xf32, #tpu.memory_space<vmem>> -> memref<64x128xf32, #tpu.memory_space<vmem>>
          %parallel_loop3A_715 = tpu.vector_load_idx %parallel_loop3A_714[%parallel_loop3A_676, %add3A_491] : memref<64x128xf32, #tpu.memory_space<vmem>>[vector<16xi32>, vector<16xi32>], vector<16xf32>,
          %parallel_loop3A_716 = arith.constant 1 : i32
          %parallel_loop3A_717 = arith.constant 0 : i32
          %parallel_loop3A_718 = arith.constant 0 : i32
          %parallel_loop3A_719 = arith.constant 0 : i32
          %parallel_loop3A_720 = arith.constant 0 : i32
          %parallel_loop3A_721 = arith.constant 0 : i32
          %parallel_loop3A_722 = tpu.memref_slice %run_scoped3A_10[%rem3A_488, %parallel_loop3A_718, %parallel_loop3A_719, %parallel_loop3A_720, %parallel_loop3A_721] : memref<2x2x1x64x128xf32, #tpu.memory_space<vmem>> -> memref<1x2x1x64x128xf32, #tpu.memory_space<vmem>>
          %parallel_loop3A_723 = tpu.memref_squeeze %parallel_loop3A_722 : memref<1x2x1x64x128xf32, #tpu.memory_space<vmem>> -> memref<2x1x64x128xf32, #tpu.memory_space<vmem>>
          %parallel_loop3A_724 = arith.index_cast %parallel_loop3A_716 : i32 to index
          %parallel_loop3A_725 = arith.index_cast %parallel_loop3A_717 : i32 to index
          %parallel_loop3A_726 = arith.index_cast %parallel_loop3A_666 : i32 to index
          %parallel_loop3A_727 = arith.constant 0 : index
          %parallel_loop3A_728 = tpu.vector_load %parallel_loop3A_723[%parallel_loop3A_724, %parallel_loop3A_725, %parallel_loop3A_726, %parallel_loop3A_727] {strides = array<i32>} : memref<2x1x64x128xf32, #tpu.memory_space<vmem>>, vector<16xf32>,
          tpu.vector_store %parallel_loop3A_723[%parallel_loop3A_724, %parallel_loop3A_725, %parallel_loop3A_726, %parallel_loop3A_727], %parallel_loop3A_715 {strides = array<i32>} : memref<2x1x64x128xf32, #tpu.memory_space<vmem>>, vector<16xf32>,
          %parallel_loop3A_729 = arith.constant 0 : i32
          %parallel_loop3A_730 = arith.constant 0 : i32
          %parallel_loop3A_731 = arith.constant 0 : i32
          %parallel_loop3A_732 = arith.constant 0 : i32
          %parallel_loop3A_733 = tpu.memref_slice %run_scoped3A_8[%rem3A_486, %parallel_loop3A_730, %parallel_loop3A_731, %parallel_loop3A_732] : memref<2x1x64x128xi32, #tpu.memory_space<vmem>> -> memref<1x1x64x128xi32, #tpu.memory_space<vmem>>
          %parallel_loop3A_734 = tpu.memref_squeeze %parallel_loop3A_733 : memref<1x1x64x128xi32, #tpu.memory_space<vmem>> -> memref<1x64x128xi32, #tpu.memory_space<vmem>>
          %parallel_loop3A_735 = arith.index_cast %parallel_loop3A_729 : i32 to index
          %parallel_loop3A_736 = arith.index_cast %parallel_loop3A_666 : i32 to index
          %parallel_loop3A_737 = arith.constant 16 : index
          %parallel_loop3A_738 = tpu.vector_load %parallel_loop3A_734[%parallel_loop3A_735, %parallel_loop3A_736, %parallel_loop3A_737] {strides = array<i32>} : memref<1x64x128xi32, #tpu.memory_space<vmem>>, vector<16xi32>,
          %parallel_loop3A_739 = arith.constant 0 : i32
          %parallel_loop3A_740 = arith.constant 0 : i32
          %parallel_loop3A_741 = arith.constant 0 : i32
          %parallel_loop3A_742 = arith.constant 0 : i32
          %parallel_loop3A_743 = arith.constant 0 : i32
          %parallel_loop3A_744 = arith.constant 0 : i32
          %parallel_loop3A_745 = tpu.memref_slice %run_scoped3A[%rem3A_484, %parallel_loop3A_741, %parallel_loop3A_742, %parallel_loop3A_743, %parallel_loop3A_744] : memref<2x2x1x64x128xf32, #tpu.memory_space<vmem>> -> memref<1x2x1x64x128xf32, #tpu.memory_space<vmem>>
          %parallel_loop3A_746 = tpu.memref_squeeze %parallel_loop3A_745 : memref<1x2x1x64x128xf32, #tpu.memory_space<vmem>> -> memref<2x1x64x128xf32, #tpu.memory_space<vmem>>
          %parallel_loop3A_747 = arith.constant 0 : i32
          %parallel_loop3A_748 = arith.constant 0 : i32
          %parallel_loop3A_749 = tpu.memref_slice %parallel_loop3A_746[%parallel_loop3A_739, %parallel_loop3A_740, %parallel_loop3A_747, %parallel_loop3A_748] : memref<2x1x64x128xf32, #tpu.memory_space<vmem>> -> memref<1x1x64x128xf32, #tpu.memory_space<vmem>>
          %parallel_loop3A_750 = tpu.memref_squeeze %parallel_loop3A_749 : memref<1x1x64x128xf32, #tpu.memory_space<vmem>> -> memref<64x128xf32, #tpu.memory_space<vmem>>
          %parallel_loop3A_751 = tpu.vector_load_idx %parallel_loop3A_750[%parallel_loop3A_738, %add3A_495] : memref<64x128xf32, #tpu.memory_space<vmem>>[vector<16xi32>, vector<16xi32>], vector<16xf32>,
          %parallel_loop3A_752 = arith.constant 0 : i32
          %parallel_loop3A_753 = arith.constant 0 : i32
          %parallel_loop3A_754 = arith.constant 0 : i32
          %parallel_loop3A_755 = arith.constant 0 : i32
          %parallel_loop3A_756 = arith.constant 0 : i32
          %parallel_loop3A_757 = arith.constant 0 : i32
          %parallel_loop3A_758 = tpu.memref_slice %run_scoped3A_10[%rem3A_488, %parallel_loop3A_754, %parallel_loop3A_755, %parallel_loop3A_756, %parallel_loop3A_757] : memref<2x2x1x64x128xf32, #tpu.memory_space<vmem>> -> memref<1x2x1x64x128xf32, #tpu.memory_space<vmem>>
          %parallel_loop3A_759 = tpu.memref_squeeze %parallel_loop3A_758 : memref<1x2x1x64x128xf32, #tpu.memory_space<vmem>> -> memref<2x1x64x128xf32, #tpu.memory_space<vmem>>
          %parallel_loop3A_760 = arith.index_cast %parallel_loop3A_752 : i32 to index
          %parallel_loop3A_761 = arith.index_cast %parallel_loop3A_753 : i32 to index
          %parallel_loop3A_762 = arith.index_cast %parallel_loop3A_666 : i32 to index
          %parallel_loop3A_763 = arith.constant 16 : index
          %parallel_loop3A_764 = tpu.vector_load %parallel_loop3A_759[%parallel_loop3A_760, %parallel_loop3A_761, %parallel_loop3A_762, %parallel_loop3A_763] {strides = array<i32>} : memref<2x1x64x128xf32, #tpu.memory_space<vmem>>, vector<16xf32>,
          tpu.vector_store %parallel_loop3A_759[%parallel_loop3A_760, %parallel_loop3A_761, %parallel_loop3A_762, %parallel_loop3A_763], %parallel_loop3A_751 {strides = array<i32>} : memref<2x1x64x128xf32, #tpu.memory_space<vmem>>, vector<16xf32>,
          %parallel_loop3A_765 = arith.constant 1 : i32
          %parallel_loop3A_766 = arith.constant 0 : i32
          %parallel_loop3A_767 = arith.constant 0 : i32
          %parallel_loop3A_768 = arith.constant 0 : i32
          %parallel_loop3A_769 = arith.constant 0 : i32
          %parallel_loop3A_770 = arith.constant 0 : i32
          %parallel_loop3A_771 = tpu.memref_slice %run_scoped3A[%rem3A_484, %parallel_loop3A_767, %parallel_loop3A_768, %parallel_loop3A_769, %parallel_loop3A_770] : memref<2x2x1x64x128xf32, #tpu.memory_space<vmem>> -> memref<1x2x1x64x128xf32, #tpu.memory_space<vmem>>
          %parallel_loop3A_772 = tpu.memref_squeeze %parallel_loop3A_771 : memref<1x2x1x64x128xf32, #tpu.memory_space<vmem>> -> memref<2x1x64x128xf32, #tpu.memory_space<vmem>>
          %parallel_loop3A_773 = arith.constant 0 : i32
          %parallel_loop3A_774 = arith.constant 0 : i32
          %parallel_loop3A_775 = tpu.memref_slice %parallel_loop3A_772[%parallel_loop3A_765, %parallel_loop3A_766, %parallel_loop3A_773, %parallel_loop3A_774] : memref<2x1x64x128xf32, #tpu.memory_space<vmem>> -> memref<1x1x64x128xf32, #tpu.memory_space<vmem>>
          %parallel_loop3A_776 = tpu.memref_squeeze %parallel_loop3A_775 : memref<1x1x64x128xf32, #tpu.memory_space<vmem>> -> memref<64x128xf32, #tpu.memory_space<vmem>>
          %parallel_loop3A_777 = tpu.vector_load_idx %parallel_loop3A_776[%parallel_loop3A_738, %add3A_495] : memref<64x128xf32, #tpu.memory_space<vmem>>[vector<16xi32>, vector<16xi32>], vector<16xf32>,
          %parallel_loop3A_778 = arith.constant 1 : i32
          %parallel_loop3A_779 = arith.constant 0 : i32
          %parallel_loop3A_780 = arith.constant 0 : i32
          %parallel_loop3A_781 = arith.constant 0 : i32
          %parallel_loop3A_782 = arith.constant 0 : i32
          %parallel_loop3A_783 = arith.constant 0 : i32
          %parallel_loop3A_784 = tpu.memref_slice %run_scoped3A_10[%rem3A_488, %parallel_loop3A_780, %parallel_loop3A_781, %parallel_loop3A_782, %parallel_loop3A_783] : memref<2x2x1x64x128xf32, #tpu.memory_space<vmem>> -> memref<1x2x1x64x128xf32, #tpu.memory_space<vmem>>
          %parallel_loop3A_785 = tpu.memref_squeeze %parallel_loop3A_784 : memref<1x2x1x64x128xf32, #tpu.memory_space<vmem>> -> memref<2x1x64x128xf32, #tpu.memory_space<vmem>>
          %parallel_loop3A_786 = arith.index_cast %parallel_loop3A_778 : i32 to index
          %parallel_loop3A_787 = arith.index_cast %parallel_loop3A_779 : i32 to index
          %parallel_loop3A_788 = arith.index_cast %parallel_loop3A_666 : i32 to index
          %parallel_loop3A_789 = arith.constant 16 : index
          %parallel_loop3A_790 = tpu.vector_load %parallel_loop3A_785[%parallel_loop3A_786, %parallel_loop3A_787, %parallel_loop3A_788, %parallel_loop3A_789] {strides = array<i32>} : memref<2x1x64x128xf32, #tpu.memory_space<vmem>>, vector<16xf32>,
          tpu.vector_store %parallel_loop3A_785[%parallel_loop3A_786, %parallel_loop3A_787, %parallel_loop3A_788, %parallel_loop3A_789], %parallel_loop3A_777 {strides = array<i32>} : memref<2x1x64x128xf32, #tpu.memory_space<vmem>>, vector<16xf32>,
          %parallel_loop3A_791 = arith.constant 0 : i32
          %parallel_loop3A_792 = arith.constant 0 : i32
          %parallel_loop3A_793 = arith.constant 0 : i32
          %parallel_loop3A_794 = arith.constant 0 : i32
          %parallel_loop3A_795 = tpu.memref_slice %run_scoped3A_8[%rem3A_486, %parallel_loop3A_792, %parallel_loop3A_793, %parallel_loop3A_794] : memref<2x1x64x128xi32, #tpu.memory_space<vmem>> -> memref<1x1x64x128xi32, #tpu.memory_space<vmem>>
          %parallel_loop3A_796 = tpu.memref_squeeze %parallel_loop3A_795 : memref<1x1x64x128xi32, #tpu.memory_space<vmem>> -> memref<1x64x128xi32, #tpu.memory_space<vmem>>
          %parallel_loop3A_797 = arith.index_cast %parallel_loop3A_791 : i32 to index
          %parallel_loop3A_798 = arith.index_cast %parallel_loop3A_666 : i32 to index
          %parallel_loop3A_799 = arith.constant 32 : index
          %parallel_loop3A_800 = tpu.vector_load %parallel_loop3A_796[%parallel_loop3A_797, %parallel_loop3A_798, %parallel_loop3A_799] {strides = array<i32>} : memref<1x64x128xi32, #tpu.memory_space<vmem>>, vector<16xi32>,
          %parallel_loop3A_801 = arith.constant 0 : i32
          %parallel_loop3A_802 = arith.constant 0 : i32
          %parallel_loop3A_803 = arith.constant 0 : i32
          %parallel_loop3A_804 = arith.constant 0 : i32
          %parallel_loop3A_805 = arith.constant 0 : i32
          %parallel_loop3A_806 = arith.constant 0 : i32
          %parallel_loop3A_807 = tpu.memref_slice %run_scoped3A[%rem3A_484, %parallel_loop3A_803, %parallel_loop3A_804, %parallel_loop3A_805, %parallel_loop3A_806] : memref<2x2x1x64x128xf32, #tpu.memory_space<vmem>> -> memref<1x2x1x64x128xf32, #tpu.memory_space<vmem>>
          %parallel_loop3A_808 = tpu.memref_squeeze %parallel_loop3A_807 : memref<1x2x1x64x128xf32, #tpu.memory_space<vmem>> -> memref<2x1x64x128xf32, #tpu.memory_space<vmem>>
          %parallel_loop3A_809 = arith.constant 0 : i32
          %parallel_loop3A_810 = arith.constant 0 : i32
          %parallel_loop3A_811 = tpu.memref_slice %parallel_loop3A_808[%parallel_loop3A_801, %parallel_loop3A_802, %parallel_loop3A_809, %parallel_loop3A_810] : memref<2x1x64x128xf32, #tpu.memory_space<vmem>> -> memref<1x1x64x128xf32, #tpu.memory_space<vmem>>
          %parallel_loop3A_812 = tpu.memref_squeeze %parallel_loop3A_811 : memref<1x1x64x128xf32, #tpu.memory_space<vmem>> -> memref<64x128xf32, #tpu.memory_space<vmem>>
          %parallel_loop3A_813 = tpu.vector_load_idx %parallel_loop3A_812[%parallel_loop3A_800, %add3A_499] : memref<64x128xf32, #tpu.memory_space<vmem>>[vector<16xi32>, vector<16xi32>], vector<16xf32>,
          %parallel_loop3A_814 = arith.constant 0 : i32
          %parallel_loop3A_815 = arith.constant 0 : i32
          %parallel_loop3A_816 = arith.constant 0 : i32
          %parallel_loop3A_817 = arith.constant 0 : i32
          %parallel_loop3A_818 = arith.constant 0 : i32
          %parallel_loop3A_819 = arith.constant 0 : i32
          %parallel_loop3A_820 = tpu.memref_slice %run_scoped3A_10[%rem3A_488, %parallel_loop3A_816, %parallel_loop3A_817, %parallel_loop3A_818, %parallel_loop3A_819] : memref<2x2x1x64x128xf32, #tpu.memory_space<vmem>> -> memref<1x2x1x64x128xf32, #tpu.memory_space<vmem>>
          %parallel_loop3A_821 = tpu.memref_squeeze %parallel_loop3A_820 : memref<1x2x1x64x128xf32, #tpu.memory_space<vmem>> -> memref<2x1x64x128xf32, #tpu.memory_space<vmem>>
          %parallel_loop3A_822 = arith.index_cast %parallel_loop3A_814 : i32 to index
          %parallel_loop3A_823 = arith.index_cast %parallel_loop3A_815 : i32 to index
          %parallel_loop3A_824 = arith.index_cast %parallel_loop3A_666 : i32 to index
          %parallel_loop3A_825 = arith.constant 32 : index
          %parallel_loop3A_826 = tpu.vector_load %parallel_loop3A_821[%parallel_loop3A_822, %parallel_loop3A_823, %parallel_loop3A_824, %parallel_loop3A_825] {strides = array<i32>} : memref<2x1x64x128xf32, #tpu.memory_space<vmem>>, vector<16xf32>,
          tpu.vector_store %parallel_loop3A_821[%parallel_loop3A_822, %parallel_loop3A_823, %parallel_loop3A_824, %parallel_loop3A_825], %parallel_loop3A_813 {strides = array<i32>} : memref<2x1x64x128xf32, #tpu.memory_space<vmem>>, vector<16xf32>,
          %parallel_loop3A_827 = arith.constant 1 : i32
          %parallel_loop3A_828 = arith.constant 0 : i32
          %parallel_loop3A_829 = arith.constant 0 : i32
          %parallel_loop3A_830 = arith.constant 0 : i32
          %parallel_loop3A_831 = arith.constant 0 : i32
          %parallel_loop3A_832 = arith.constant 0 : i32
          %parallel_loop3A_833 = tpu.memref_slice %run_scoped3A[%rem3A_484, %parallel_loop3A_829, %parallel_loop3A_830, %parallel_loop3A_831, %parallel_loop3A_832] : memref<2x2x1x64x128xf32, #tpu.memory_space<vmem>> -> memref<1x2x1x64x128xf32, #tpu.memory_space<vmem>>
          %parallel_loop3A_834 = tpu.memref_squeeze %parallel_loop3A_833 : memref<1x2x1x64x128xf32, #tpu.memory_space<vmem>> -> memref<2x1x64x128xf32, #tpu.memory_space<vmem>>
          %parallel_loop3A_835 = arith.constant 0 : i32
          %parallel_loop3A_836 = arith.constant 0 : i32
          %parallel_loop3A_837 = tpu.memref_slice %parallel_loop3A_834[%parallel_loop3A_827, %parallel_loop3A_828, %parallel_loop3A_835, %parallel_loop3A_836] : memref<2x1x64x128xf32, #tpu.memory_space<vmem>> -> memref<1x1x64x128xf32, #tpu.memory_space<vmem>>
          %parallel_loop3A_838 = tpu.memref_squeeze %parallel_loop3A_837 : memref<1x1x64x128xf32, #tpu.memory_space<vmem>> -> memref<64x128xf32, #tpu.memory_space<vmem>>
          %parallel_loop3A_839 = tpu.vector_load_idx %parallel_loop3A_838[%parallel_loop3A_800, %add3A_499] : memref<64x128xf32, #tpu.memory_space<vmem>>[vector<16xi32>, vector<16xi32>], vector<16xf32>,
          %parallel_loop3A_840 = arith.constant 1 : i32
          %parallel_loop3A_841 = arith.constant 0 : i32
          %parallel_loop3A_842 = arith.constant 0 : i32
          %parallel_loop3A_843 = arith.constant 0 : i32
          %parallel_loop3A_844 = arith.constant 0 : i32
          %parallel_loop3A_845 = arith.constant 0 : i32
          %parallel_loop3A_846 = tpu.memref_slice %run_scoped3A_10[%rem3A_488, %parallel_loop3A_842, %parallel_loop3A_843, %parallel_loop3A_844, %parallel_loop3A_845] : memref<2x2x1x64x128xf32, #tpu.memory_space<vmem>> -> memref<1x2x1x64x128xf32, #tpu.memory_space<vmem>>
          %parallel_loop3A_847 = tpu.memref_squeeze %parallel_loop3A_846 : memref<1x2x1x64x128xf32, #tpu.memory_space<vmem>> -> memref<2x1x64x128xf32, #tpu.memory_space<vmem>>
          %parallel_loop3A_848 = arith.index_cast %parallel_loop3A_840 : i32 to index
          %parallel_loop3A_849 = arith.index_cast %parallel_loop3A_841 : i32 to index
          %parallel_loop3A_850 = arith.index_cast %parallel_loop3A_666 : i32 to index
          %parallel_loop3A_851 = arith.constant 32 : index
          %parallel_loop3A_852 = tpu.vector_load %parallel_loop3A_847[%parallel_loop3A_848, %parallel_loop3A_849, %parallel_loop3A_850, %parallel_loop3A_851] {strides = array<i32>} : memref<2x1x64x128xf32, #tpu.memory_space<vmem>>, vector<16xf32>,
          tpu.vector_store %parallel_loop3A_847[%parallel_loop3A_848, %parallel_loop3A_849, %parallel_loop3A_850, %parallel_loop3A_851], %parallel_loop3A_839 {strides = array<i32>} : memref<2x1x64x128xf32, #tpu.memory_space<vmem>>, vector<16xf32>,
          %parallel_loop3A_853 = arith.constant 0 : i32
          %parallel_loop3A_854 = arith.constant 0 : i32
          %parallel_loop3A_855 = arith.constant 0 : i32
          %parallel_loop3A_856 = arith.constant 0 : i32
          %parallel_loop3A_857 = tpu.memref_slice %run_scoped3A_8[%rem3A_486, %parallel_loop3A_854, %parallel_loop3A_855, %parallel_loop3A_856] : memref<2x1x64x128xi32, #tpu.memory_space<vmem>> -> memref<1x1x64x128xi32, #tpu.memory_space<vmem>>
          %parallel_loop3A_858 = tpu.memref_squeeze %parallel_loop3A_857 : memref<1x1x64x128xi32, #tpu.memory_space<vmem>> -> memref<1x64x128xi32, #tpu.memory_space<vmem>>
          %parallel_loop3A_859 = arith.index_cast %parallel_loop3A_853 : i32 to index
          %parallel_loop3A_860 = arith.index_cast %parallel_loop3A_666 : i32 to index
          %parallel_loop3A_861 = arith.constant 48 : index
          %parallel_loop3A_862 = tpu.vector_load %parallel_loop3A_858[%parallel_loop3A_859, %parallel_loop3A_860, %parallel_loop3A_861] {strides = array<i32>} : memref<1x64x128xi32, #tpu.memory_space<vmem>>, vector<16xi32>,
          %parallel_loop3A_863 = arith.constant 0 : i32
          %parallel_loop3A_864 = arith.constant 0 : i32
          %parallel_loop3A_865 = arith.constant 0 : i32
          %parallel_loop3A_866 = arith.constant 0 : i32
          %parallel_loop3A_867 = arith.constant 0 : i32
          %parallel_loop3A_868 = arith.constant 0 : i32
          %parallel_loop3A_869 = tpu.memref_slice %run_scoped3A[%rem3A_484, %parallel_loop3A_865, %parallel_loop3A_866, %parallel_loop3A_867, %parallel_loop3A_868] : memref<2x2x1x64x128xf32, #tpu.memory_space<vmem>> -> memref<1x2x1x64x128xf32, #tpu.memory_space<vmem>>
          %parallel_loop3A_870 = tpu.memref_squeeze %parallel_loop3A_869 : memref<1x2x1x64x128xf32, #tpu.memory_space<vmem>> -> memref<2x1x64x128xf32, #tpu.memory_space<vmem>>
          %parallel_loop3A_871 = arith.constant 0 : i32
          %parallel_loop3A_872 = arith.constant 0 : i32
          %parallel_loop3A_873 = tpu.memref_slice %parallel_loop3A_870[%parallel_loop3A_863, %parallel_loop3A_864, %parallel_loop3A_871, %parallel_loop3A_872] : memref<2x1x64x128xf32, #tpu.memory_space<vmem>> -> memref<1x1x64x128xf32, #tpu.memory_space<vmem>>
          %parallel_loop3A_874 = tpu.memref_squeeze %parallel_loop3A_873 : memref<1x1x64x128xf32, #tpu.memory_space<vmem>> -> memref<64x128xf32, #tpu.memory_space<vmem>>
          %parallel_loop3A_875 = tpu.vector_load_idx %parallel_loop3A_874[%parallel_loop3A_862, %add3A_503] : memref<64x128xf32, #tpu.memory_space<vmem>>[vector<16xi32>, vector<16xi32>], vector<16xf32>,
          %parallel_loop3A_876 = arith.constant 0 : i32
          %parallel_loop3A_877 = arith.constant 0 : i32
          %parallel_loop3A_878 = arith.constant 0 : i32
          %parallel_loop3A_879 = arith.constant 0 : i32
          %parallel_loop3A_880 = arith.constant 0 : i32
          %parallel_loop3A_881 = arith.constant 0 : i32
          %parallel_loop3A_882 = tpu.memref_slice %run_scoped3A_10[%rem3A_488, %parallel_loop3A_878, %parallel_loop3A_879, %parallel_loop3A_880, %parallel_loop3A_881] : memref<2x2x1x64x128xf32, #tpu.memory_space<vmem>> -> memref<1x2x1x64x128xf32, #tpu.memory_space<vmem>>
          %parallel_loop3A_883 = tpu.memref_squeeze %parallel_loop3A_882 : memref<1x2x1x64x128xf32, #tpu.memory_space<vmem>> -> memref<2x1x64x128xf32, #tpu.memory_space<vmem>>
          %parallel_loop3A_884 = arith.index_cast %parallel_loop3A_876 : i32 to index
          %parallel_loop3A_885 = arith.index_cast %parallel_loop3A_877 : i32 to index
          %parallel_loop3A_886 = arith.index_cast %parallel_loop3A_666 : i32 to index
          %parallel_loop3A_887 = arith.constant 48 : index
          %parallel_loop3A_888 = tpu.vector_load %parallel_loop3A_883[%parallel_loop3A_884, %parallel_loop3A_885, %parallel_loop3A_886, %parallel_loop3A_887] {strides = array<i32>} : memref<2x1x64x128xf32, #tpu.memory_space<vmem>>, vector<16xf32>,
          tpu.vector_store %parallel_loop3A_883[%parallel_loop3A_884, %parallel_loop3A_885, %parallel_loop3A_886, %parallel_loop3A_887], %parallel_loop3A_875 {strides = array<i32>} : memref<2x1x64x128xf32, #tpu.memory_space<vmem>>, vector<16xf32>,
          %parallel_loop3A_889 = arith.constant 1 : i32
          %parallel_loop3A_890 = arith.constant 0 : i32
          %parallel_loop3A_891 = arith.constant 0 : i32
          %parallel_loop3A_892 = arith.constant 0 : i32
          %parallel_loop3A_893 = arith.constant 0 : i32
          %parallel_loop3A_894 = arith.constant 0 : i32
          %parallel_loop3A_895 = tpu.memref_slice %run_scoped3A[%rem3A_484, %parallel_loop3A_891, %parallel_loop3A_892, %parallel_loop3A_893, %parallel_loop3A_894] : memref<2x2x1x64x128xf32, #tpu.memory_space<vmem>> -> memref<1x2x1x64x128xf32, #tpu.memory_space<vmem>>
          %parallel_loop3A_896 = tpu.memref_squeeze %parallel_loop3A_895 : memref<1x2x1x64x128xf32, #tpu.memory_space<vmem>> -> memref<2x1x64x128xf32, #tpu.memory_space<vmem>>
          %parallel_loop3A_897 = arith.constant 0 : i32
          %parallel_loop3A_898 = arith.constant 0 : i32
          %parallel_loop3A_899 = tpu.memref_slice %parallel_loop3A_896[%parallel_loop3A_889, %parallel_loop3A_890, %parallel_loop3A_897, %parallel_loop3A_898] : memref<2x1x64x128xf32, #tpu.memory_space<vmem>> -> memref<1x1x64x128xf32, #tpu.memory_space<vmem>>
          %parallel_loop3A_900 = tpu.memref_squeeze %parallel_loop3A_899 : memref<1x1x64x128xf32, #tpu.memory_space<vmem>> -> memref<64x128xf32, #tpu.memory_space<vmem>>
          %parallel_loop3A_901 = tpu.vector_load_idx %parallel_loop3A_900[%parallel_loop3A_862, %add3A_503] : memref<64x128xf32, #tpu.memory_space<vmem>>[vector<16xi32>, vector<16xi32>], vector<16xf32>,
          %parallel_loop3A_902 = arith.constant 1 : i32
          %parallel_loop3A_903 = arith.constant 0 : i32
          %parallel_loop3A_904 = arith.constant 0 : i32
          %parallel_loop3A_905 = arith.constant 0 : i32
          %parallel_loop3A_906 = arith.constant 0 : i32
          %parallel_loop3A_907 = arith.constant 0 : i32
          %parallel_loop3A_908 = tpu.memref_slice %run_scoped3A_10[%rem3A_488, %parallel_loop3A_904, %parallel_loop3A_905, %parallel_loop3A_906, %parallel_loop3A_907] : memref<2x2x1x64x128xf32, #tpu.memory_space<vmem>> -> memref<1x2x1x64x128xf32, #tpu.memory_space<vmem>>
          %parallel_loop3A_909 = tpu.memref_squeeze %parallel_loop3A_908 : memref<1x2x1x64x128xf32, #tpu.memory_space<vmem>> -> memref<2x1x64x128xf32, #tpu.memory_space<vmem>>
          %parallel_loop3A_910 = arith.index_cast %parallel_loop3A_902 : i32 to index
          %parallel_loop3A_911 = arith.index_cast %parallel_loop3A_903 : i32 to index
          %parallel_loop3A_912 = arith.index_cast %parallel_loop3A_666 : i32 to index
          %parallel_loop3A_913 = arith.constant 48 : index
          %parallel_loop3A_914 = tpu.vector_load %parallel_loop3A_909[%parallel_loop3A_910, %parallel_loop3A_911, %parallel_loop3A_912, %parallel_loop3A_913] {strides = array<i32>} : memref<2x1x64x128xf32, #tpu.memory_space<vmem>>, vector<16xf32>,
          tpu.vector_store %parallel_loop3A_909[%parallel_loop3A_910, %parallel_loop3A_911, %parallel_loop3A_912, %parallel_loop3A_913], %parallel_loop3A_901 {strides = array<i32>} : memref<2x1x64x128xf32, #tpu.memory_space<vmem>>, vector<16xf32>,
          %parallel_loop3A_915 = arith.constant 0 : i32
          %parallel_loop3A_916 = arith.constant 0 : i32
          %parallel_loop3A_917 = arith.constant 0 : i32
          %parallel_loop3A_918 = arith.constant 0 : i32
          %parallel_loop3A_919 = tpu.memref_slice %run_scoped3A_8[%rem3A_486, %parallel_loop3A_916, %parallel_loop3A_917, %parallel_loop3A_918] : memref<2x1x64x128xi32, #tpu.memory_space<vmem>> -> memref<1x1x64x128xi32, #tpu.memory_space<vmem>>
          %parallel_loop3A_920 = tpu.memref_squeeze %parallel_loop3A_919 : memref<1x1x64x128xi32, #tpu.memory_space<vmem>> -> memref<1x64x128xi32, #tpu.memory_space<vmem>>
          %parallel_loop3A_921 = arith.index_cast %parallel_loop3A_915 : i32 to index
          %parallel_loop3A_922 = arith.index_cast %parallel_loop3A_666 : i32 to index
          %parallel_loop3A_923 = arith.constant 64 : index
          %parallel_loop3A_924 = tpu.vector_load %parallel_loop3A_920[%parallel_loop3A_921, %parallel_loop3A_922, %parallel_loop3A_923] {strides = array<i32>} : memref<1x64x128xi32, #tpu.memory_space<vmem>>, vector<16xi32>,
          %parallel_loop3A_925 = arith.constant 0 : i32
          %parallel_loop3A_926 = arith.constant 0 : i32
          %parallel_loop3A_927 = arith.constant 0 : i32
          %parallel_loop3A_928 = arith.constant 0 : i32
          %parallel_loop3A_929 = arith.constant 0 : i32
          %parallel_loop3A_930 = arith.constant 0 : i32
          %parallel_loop3A_931 = tpu.memref_slice %run_scoped3A[%rem3A_484, %parallel_loop3A_927, %parallel_loop3A_928, %parallel_loop3A_929, %parallel_loop3A_930] : memref<2x2x1x64x128xf32, #tpu.memory_space<vmem>> -> memref<1x2x1x64x128xf32, #tpu.memory_space<vmem>>
          %parallel_loop3A_932 = tpu.memref_squeeze %parallel_loop3A_931 : memref<1x2x1x64x128xf32, #tpu.memory_space<vmem>> -> memref<2x1x64x128xf32, #tpu.memory_space<vmem>>
          %parallel_loop3A_933 = arith.constant 0 : i32
          %parallel_loop3A_934 = arith.constant 0 : i32
          %parallel_loop3A_935 = tpu.memref_slice %parallel_loop3A_932[%parallel_loop3A_925, %parallel_loop3A_926, %parallel_loop3A_933, %parallel_loop3A_934] : memref<2x1x64x128xf32, #tpu.memory_space<vmem>> -> memref<1x1x64x128xf32, #tpu.memory_space<vmem>>
          %parallel_loop3A_936 = tpu.memref_squeeze %parallel_loop3A_935 : memref<1x1x64x128xf32, #tpu.memory_space<vmem>> -> memref<64x128xf32, #tpu.memory_space<vmem>>
          %parallel_loop3A_937 = tpu.vector_load_idx %parallel_loop3A_936[%parallel_loop3A_924, %add3A_507] : memref<64x128xf32, #tpu.memory_space<vmem>>[vector<16xi32>, vector<16xi32>], vector<16xf32>,
          %parallel_loop3A_938 = arith.constant 0 : i32
          %parallel_loop3A_939 = arith.constant 0 : i32
          %parallel_loop3A_940 = arith.constant 0 : i32
          %parallel_loop3A_941 = arith.constant 0 : i32
          %parallel_loop3A_942 = arith.constant 0 : i32
          %parallel_loop3A_943 = arith.constant 0 : i32
          %parallel_loop3A_944 = tpu.memref_slice %run_scoped3A_10[%rem3A_488, %parallel_loop3A_940, %parallel_loop3A_941, %parallel_loop3A_942, %parallel_loop3A_943] : memref<2x2x1x64x128xf32, #tpu.memory_space<vmem>> -> memref<1x2x1x64x128xf32, #tpu.memory_space<vmem>>
          %parallel_loop3A_945 = tpu.memref_squeeze %parallel_loop3A_944 : memref<1x2x1x64x128xf32, #tpu.memory_space<vmem>> -> memref<2x1x64x128xf32, #tpu.memory_space<vmem>>
          %parallel_loop3A_946 = arith.index_cast %parallel_loop3A_938 : i32 to index
          %parallel_loop3A_947 = arith.index_cast %parallel_loop3A_939 : i32 to index
          %parallel_loop3A_948 = arith.index_cast %parallel_loop3A_666 : i32 to index
          %parallel_loop3A_949 = arith.constant 64 : index
          %parallel_loop3A_950 = tpu.vector_load %parallel_loop3A_945[%parallel_loop3A_946, %parallel_loop3A_947, %parallel_loop3A_948, %parallel_loop3A_949] {strides = array<i32>} : memref<2x1x64x128xf32, #tpu.memory_space<vmem>>, vector<16xf32>,
          tpu.vector_store %parallel_loop3A_945[%parallel_loop3A_946, %parallel_loop3A_947, %parallel_loop3A_948, %parallel_loop3A_949], %parallel_loop3A_937 {strides = array<i32>} : memref<2x1x64x128xf32, #tpu.memory_space<vmem>>, vector<16xf32>,
          %parallel_loop3A_951 = arith.constant 1 : i32
          %parallel_loop3A_952 = arith.constant 0 : i32
          %parallel_loop3A_953 = arith.constant 0 : i32
          %parallel_loop3A_954 = arith.constant 0 : i32
          %parallel_loop3A_955 = arith.constant 0 : i32
          %parallel_loop3A_956 = arith.constant 0 : i32
          %parallel_loop3A_957 = tpu.memref_slice %run_scoped3A[%rem3A_484, %parallel_loop3A_953, %parallel_loop3A_954, %parallel_loop3A_955, %parallel_loop3A_956] : memref<2x2x1x64x128xf32, #tpu.memory_space<vmem>> -> memref<1x2x1x64x128xf32, #tpu.memory_space<vmem>>
          %parallel_loop3A_958 = tpu.memref_squeeze %parallel_loop3A_957 : memref<1x2x1x64x128xf32, #tpu.memory_space<vmem>> -> memref<2x1x64x128xf32, #tpu.memory_space<vmem>>
          %parallel_loop3A_959 = arith.constant 0 : i32
          %parallel_loop3A_960 = arith.constant 0 : i32
          %parallel_loop3A_961 = tpu.memref_slice %parallel_loop3A_958[%parallel_loop3A_951, %parallel_loop3A_952, %parallel_loop3A_959, %parallel_loop3A_960] : memref<2x1x64x128xf32, #tpu.memory_space<vmem>> -> memref<1x1x64x128xf32, #tpu.memory_space<vmem>>
          %parallel_loop3A_962 = tpu.memref_squeeze %parallel_loop3A_961 : memref<1x1x64x128xf32, #tpu.memory_space<vmem>> -> memref<64x128xf32, #tpu.memory_space<vmem>>
          %parallel_loop3A_963 = tpu.vector_load_idx %parallel_loop3A_962[%parallel_loop3A_924, %add3A_507] : memref<64x128xf32, #tpu.memory_space<vmem>>[vector<16xi32>, vector<16xi32>], vector<16xf32>,
          %parallel_loop3A_964 = arith.constant 1 : i32
          %parallel_loop3A_965 = arith.constant 0 : i32
          %parallel_loop3A_966 = arith.constant 0 : i32
          %parallel_loop3A_967 = arith.constant 0 : i32
          %parallel_loop3A_968 = arith.constant 0 : i32
          %parallel_loop3A_969 = arith.constant 0 : i32
          %parallel_loop3A_970 = tpu.memref_slice %run_scoped3A_10[%rem3A_488, %parallel_loop3A_966, %parallel_loop3A_967, %parallel_loop3A_968, %parallel_loop3A_969] : memref<2x2x1x64x128xf32, #tpu.memory_space<vmem>> -> memref<1x2x1x64x128xf32, #tpu.memory_space<vmem>>
          %parallel_loop3A_971 = tpu.memref_squeeze %parallel_loop3A_970 : memref<1x2x1x64x128xf32, #tpu.memory_space<vmem>> -> memref<2x1x64x128xf32, #tpu.memory_space<vmem>>
          %parallel_loop3A_972 = arith.index_cast %parallel_loop3A_964 : i32 to index
          %parallel_loop3A_973 = arith.index_cast %parallel_loop3A_965 : i32 to index
          %parallel_loop3A_974 = arith.index_cast %parallel_loop3A_666 : i32 to index
          %parallel_loop3A_975 = arith.constant 64 : index
          %parallel_loop3A_976 = tpu.vector_load %parallel_loop3A_971[%parallel_loop3A_972, %parallel_loop3A_973, %parallel_loop3A_974, %parallel_loop3A_975] {strides = array<i32>} : memref<2x1x64x128xf32, #tpu.memory_space<vmem>>, vector<16xf32>,
          tpu.vector_store %parallel_loop3A_971[%parallel_loop3A_972, %parallel_loop3A_973, %parallel_loop3A_974, %parallel_loop3A_975], %parallel_loop3A_963 {strides = array<i32>} : memref<2x1x64x128xf32, #tpu.memory_space<vmem>>, vector<16xf32>,
          %parallel_loop3A_977 = arith.constant 0 : i32
          %parallel_loop3A_978 = arith.constant 0 : i32
          %parallel_loop3A_979 = arith.constant 0 : i32
          %parallel_loop3A_980 = arith.constant 0 : i32
          %parallel_loop3A_981 = tpu.memref_slice %run_scoped3A_8[%rem3A_486, %parallel_loop3A_978, %parallel_loop3A_979, %parallel_loop3A_980] : memref<2x1x64x128xi32, #tpu.memory_space<vmem>> -> memref<1x1x64x128xi32, #tpu.memory_space<vmem>>
          %parallel_loop3A_982 = tpu.memref_squeeze %parallel_loop3A_981 : memref<1x1x64x128xi32, #tpu.memory_space<vmem>> -> memref<1x64x128xi32, #tpu.memory_space<vmem>>
          %parallel_loop3A_983 = arith.index_cast %parallel_loop3A_977 : i32 to index
          %parallel_loop3A_984 = arith.index_cast %parallel_loop3A_666 : i32 to index
          %parallel_loop3A_985 = arith.constant 80 : index
          %parallel_loop3A_986 = tpu.vector_load %parallel_loop3A_982[%parallel_loop3A_983, %parallel_loop3A_984, %parallel_loop3A_985] {strides = array<i32>} : memref<1x64x128xi32, #tpu.memory_space<vmem>>, vector<16xi32>,
          %parallel_loop3A_987 = arith.constant 0 : i32
          %parallel_loop3A_988 = arith.constant 0 : i32
          %parallel_loop3A_989 = arith.constant 0 : i32
          %parallel_loop3A_990 = arith.constant 0 : i32
          %parallel_loop3A_991 = arith.constant 0 : i32
          %parallel_loop3A_992 = arith.constant 0 : i32
          %parallel_loop3A_993 = tpu.memref_slice %run_scoped3A[%rem3A_484, %parallel_loop3A_989, %parallel_loop3A_990, %parallel_loop3A_991, %parallel_loop3A_992] : memref<2x2x1x64x128xf32, #tpu.memory_space<vmem>> -> memref<1x2x1x64x128xf32, #tpu.memory_space<vmem>>
          %parallel_loop3A_994 = tpu.memref_squeeze %parallel_loop3A_993 : memref<1x2x1x64x128xf32, #tpu.memory_space<vmem>> -> memref<2x1x64x128xf32, #tpu.memory_space<vmem>>
          %parallel_loop3A_995 = arith.constant 0 : i32
          %parallel_loop3A_996 = arith.constant 0 : i32
          %parallel_loop3A_997 = tpu.memref_slice %parallel_loop3A_994[%parallel_loop3A_987, %parallel_loop3A_988, %parallel_loop3A_995, %parallel_loop3A_996] : memref<2x1x64x128xf32, #tpu.memory_space<vmem>> -> memref<1x1x64x128xf32, #tpu.memory_space<vmem>>
          %parallel_loop3A_998 = tpu.memref_squeeze %parallel_loop3A_997 : memref<1x1x64x128xf32, #tpu.memory_space<vmem>> -> memref<64x128xf32, #tpu.memory_space<vmem>>
          %parallel_loop3A_999 = tpu.vector_load_idx %parallel_loop3A_998[%parallel_loop3A_986, %add3A_511] : memref<64x128xf32, #tpu.memory_space<vmem>>[vector<16xi32>, vector<16xi32>], vector<16xf32>,
          %parallel_loop3A_1000 = arith.constant 0 : i32
          %parallel_loop3A_1001 = arith.constant 0 : i32
          %parallel_loop3A_1002 = arith.constant 0 : i32
          %parallel_loop3A_1003 = arith.constant 0 : i32
          %parallel_loop3A_1004 = arith.constant 0 : i32
          %parallel_loop3A_1005 = arith.constant 0 : i32
          %parallel_loop3A_1006 = tpu.memref_slice %run_scoped3A_10[%rem3A_488, %parallel_loop3A_1002, %parallel_loop3A_1003, %parallel_loop3A_1004, %parallel_loop3A_1005] : memref<2x2x1x64x128xf32, #tpu.memory_space<vmem>> -> memref<1x2x1x64x128xf32, #tpu.memory_space<vmem>>
          %parallel_loop3A_1007 = tpu.memref_squeeze %parallel_loop3A_1006 : memref<1x2x1x64x128xf32, #tpu.memory_space<vmem>> -> memref<2x1x64x128xf32, #tpu.memory_space<vmem>>
          %parallel_loop3A_1008 = arith.index_cast %parallel_loop3A_1000 : i32 to index
          %parallel_loop3A_1009 = arith.index_cast %parallel_loop3A_1001 : i32 to index
          %parallel_loop3A_1010 = arith.index_cast %parallel_loop3A_666 : i32 to index
          %parallel_loop3A_1011 = arith.constant 80 : index
          %parallel_loop3A_1012 = tpu.vector_load %parallel_loop3A_1007[%parallel_loop3A_1008, %parallel_loop3A_1009, %parallel_loop3A_1010, %parallel_loop3A_1011] {strides = array<i32>} : memref<2x1x64x128xf32, #tpu.memory_space<vmem>>, vector<16xf32>,
          tpu.vector_store %parallel_loop3A_1007[%parallel_loop3A_1008, %parallel_loop3A_1009, %parallel_loop3A_1010, %parallel_loop3A_1011], %parallel_loop3A_999 {strides = array<i32>} : memref<2x1x64x128xf32, #tpu.memory_space<vmem>>, vector<16xf32>,
          %parallel_loop3A_1013 = arith.constant 1 : i32
          %parallel_loop3A_1014 = arith.constant 0 : i32
          %parallel_loop3A_1015 = arith.constant 0 : i32
          %parallel_loop3A_1016 = arith.constant 0 : i32
          %parallel_loop3A_1017 = arith.constant 0 : i32
          %parallel_loop3A_1018 = arith.constant 0 : i32
          %parallel_loop3A_1019 = tpu.memref_slice %run_scoped3A[%rem3A_484, %parallel_loop3A_1015, %parallel_loop3A_1016, %parallel_loop3A_1017, %parallel_loop3A_1018] : memref<2x2x1x64x128xf32, #tpu.memory_space<vmem>> -> memref<1x2x1x64x128xf32, #tpu.memory_space<vmem>>
          %parallel_loop3A_1020 = tpu.memref_squeeze %parallel_loop3A_1019 : memref<1x2x1x64x128xf32, #tpu.memory_space<vmem>> -> memref<2x1x64x128xf32, #tpu.memory_space<vmem>>
          %parallel_loop3A_1021 = arith.constant 0 : i32
          %parallel_loop3A_1022 = arith.constant 0 : i32
          %parallel_loop3A_1023 = tpu.memref_slice %parallel_loop3A_1020[%parallel_loop3A_1013, %parallel_loop3A_1014, %parallel_loop3A_1021, %parallel_loop3A_1022] : memref<2x1x64x128xf32, #tpu.memory_space<vmem>> -> memref<1x1x64x128xf32, #tpu.memory_space<vmem>>
          %parallel_loop3A_1024 = tpu.memref_squeeze %parallel_loop3A_1023 : memref<1x1x64x128xf32, #tpu.memory_space<vmem>> -> memref<64x128xf32, #tpu.memory_space<vmem>>
          %parallel_loop3A_1025 = tpu.vector_load_idx %parallel_loop3A_1024[%parallel_loop3A_986, %add3A_511] : memref<64x128xf32, #tpu.memory_space<vmem>>[vector<16xi32>, vector<16xi32>], vector<16xf32>,
          %parallel_loop3A_1026 = arith.constant 1 : i32
          %parallel_loop3A_1027 = arith.constant 0 : i32
          %parallel_loop3A_1028 = arith.constant 0 : i32
          %parallel_loop3A_1029 = arith.constant 0 : i32
          %parallel_loop3A_1030 = arith.constant 0 : i32
          %parallel_loop3A_1031 = arith.constant 0 : i32
          %parallel_loop3A_1032 = tpu.memref_slice %run_scoped3A_10[%rem3A_488, %parallel_loop3A_1028, %parallel_loop3A_1029, %parallel_loop3A_1030, %parallel_loop3A_1031] : memref<2x2x1x64x128xf32, #tpu.memory_space<vmem>> -> memref<1x2x1x64x128xf32, #tpu.memory_space<vmem>>
          %parallel_loop3A_1033 = tpu.memref_squeeze %parallel_loop3A_1032 : memref<1x2x1x64x128xf32, #tpu.memory_space<vmem>> -> memref<2x1x64x128xf32, #tpu.memory_space<vmem>>
          %parallel_loop3A_1034 = arith.index_cast %parallel_loop3A_1026 : i32 to index
          %parallel_loop3A_1035 = arith.index_cast %parallel_loop3A_1027 : i32 to index
          %parallel_loop3A_1036 = arith.index_cast %parallel_loop3A_666 : i32 to index
          %parallel_loop3A_1037 = arith.constant 80 : index
          %parallel_loop3A_1038 = tpu.vector_load %parallel_loop3A_1033[%parallel_loop3A_1034, %parallel_loop3A_1035, %parallel_loop3A_1036, %parallel_loop3A_1037] {strides = array<i32>} : memref<2x1x64x128xf32, #tpu.memory_space<vmem>>, vector<16xf32>,
          tpu.vector_store %parallel_loop3A_1033[%parallel_loop3A_1034, %parallel_loop3A_1035, %parallel_loop3A_1036, %parallel_loop3A_1037], %parallel_loop3A_1025 {strides = array<i32>} : memref<2x1x64x128xf32, #tpu.memory_space<vmem>>, vector<16xf32>,
          %parallel_loop3A_1039 = arith.constant 0 : i32
          %parallel_loop3A_1040 = arith.constant 0 : i32
          %parallel_loop3A_1041 = arith.constant 0 : i32
          %parallel_loop3A_1042 = arith.constant 0 : i32
          %parallel_loop3A_1043 = tpu.memref_slice %run_scoped3A_8[%rem3A_486, %parallel_loop3A_1040, %parallel_loop3A_1041, %parallel_loop3A_1042] : memref<2x1x64x128xi32, #tpu.memory_space<vmem>> -> memref<1x1x64x128xi32, #tpu.memory_space<vmem>>
          %parallel_loop3A_1044 = tpu.memref_squeeze %parallel_loop3A_1043 : memref<1x1x64x128xi32, #tpu.memory_space<vmem>> -> memref<1x64x128xi32, #tpu.memory_space<vmem>>
          %parallel_loop3A_1045 = arith.index_cast %parallel_loop3A_1039 : i32 to index
          %parallel_loop3A_1046 = arith.index_cast %parallel_loop3A_666 : i32 to index
          %parallel_loop3A_1047 = arith.constant 96 : index
          %parallel_loop3A_1048 = tpu.vector_load %parallel_loop3A_1044[%parallel_loop3A_1045, %parallel_loop3A_1046, %parallel_loop3A_1047] {strides = array<i32>} : memref<1x64x128xi32, #tpu.memory_space<vmem>>, vector<16xi32>,
          %parallel_loop3A_1049 = arith.constant 0 : i32
          %parallel_loop3A_1050 = arith.constant 0 : i32
          %parallel_loop3A_1051 = arith.constant 0 : i32
          %parallel_loop3A_1052 = arith.constant 0 : i32
          %parallel_loop3A_1053 = arith.constant 0 : i32
          %parallel_loop3A_1054 = arith.constant 0 : i32
          %parallel_loop3A_1055 = tpu.memref_slice %run_scoped3A[%rem3A_484, %parallel_loop3A_1051, %parallel_loop3A_1052, %parallel_loop3A_1053, %parallel_loop3A_1054] : memref<2x2x1x64x128xf32, #tpu.memory_space<vmem>> -> memref<1x2x1x64x128xf32, #tpu.memory_space<vmem>>
          %parallel_loop3A_1056 = tpu.memref_squeeze %parallel_loop3A_1055 : memref<1x2x1x64x128xf32, #tpu.memory_space<vmem>> -> memref<2x1x64x128xf32, #tpu.memory_space<vmem>>
          %parallel_loop3A_1057 = arith.constant 0 : i32
          %parallel_loop3A_1058 = arith.constant 0 : i32
          %parallel_loop3A_1059 = tpu.memref_slice %parallel_loop3A_1056[%parallel_loop3A_1049, %parallel_loop3A_1050, %parallel_loop3A_1057, %parallel_loop3A_1058] : memref<2x1x64x128xf32, #tpu.memory_space<vmem>> -> memref<1x1x64x128xf32, #tpu.memory_space<vmem>>
          %parallel_loop3A_1060 = tpu.memref_squeeze %parallel_loop3A_1059 : memref<1x1x64x128xf32, #tpu.memory_space<vmem>> -> memref<64x128xf32, #tpu.memory_space<vmem>>
          %parallel_loop3A_1061 = tpu.vector_load_idx %parallel_loop3A_1060[%parallel_loop3A_1048, %add3A_515] : memref<64x128xf32, #tpu.memory_space<vmem>>[vector<16xi32>, vector<16xi32>], vector<16xf32>,
          %parallel_loop3A_1062 = arith.constant 0 : i32
          %parallel_loop3A_1063 = arith.constant 0 : i32
          %parallel_loop3A_1064 = arith.constant 0 : i32
          %parallel_loop3A_1065 = arith.constant 0 : i32
          %parallel_loop3A_1066 = arith.constant 0 : i32
          %parallel_loop3A_1067 = arith.constant 0 : i32
          %parallel_loop3A_1068 = tpu.memref_slice %run_scoped3A_10[%rem3A_488, %parallel_loop3A_1064, %parallel_loop3A_1065, %parallel_loop3A_1066, %parallel_loop3A_1067] : memref<2x2x1x64x128xf32, #tpu.memory_space<vmem>> -> memref<1x2x1x64x128xf32, #tpu.memory_space<vmem>>
          %parallel_loop3A_1069 = tpu.memref_squeeze %parallel_loop3A_1068 : memref<1x2x1x64x128xf32, #tpu.memory_space<vmem>> -> memref<2x1x64x128xf32, #tpu.memory_space<vmem>>
          %parallel_loop3A_1070 = arith.index_cast %parallel_loop3A_1062 : i32 to index
          %parallel_loop3A_1071 = arith.index_cast %parallel_loop3A_1063 : i32 to index
          %parallel_loop3A_1072 = arith.index_cast %parallel_loop3A_666 : i32 to index
          %parallel_loop3A_1073 = arith.constant 96 : index
          %parallel_loop3A_1074 = tpu.vector_load %parallel_loop3A_1069[%parallel_loop3A_1070, %parallel_loop3A_1071, %parallel_loop3A_1072, %parallel_loop3A_1073] {strides = array<i32>} : memref<2x1x64x128xf32, #tpu.memory_space<vmem>>, vector<16xf32>,
          tpu.vector_store %parallel_loop3A_1069[%parallel_loop3A_1070, %parallel_loop3A_1071, %parallel_loop3A_1072, %parallel_loop3A_1073], %parallel_loop3A_1061 {strides = array<i32>} : memref<2x1x64x128xf32, #tpu.memory_space<vmem>>, vector<16xf32>,
          %parallel_loop3A_1075 = arith.constant 1 : i32
          %parallel_loop3A_1076 = arith.constant 0 : i32
          %parallel_loop3A_1077 = arith.constant 0 : i32
          %parallel_loop3A_1078 = arith.constant 0 : i32
          %parallel_loop3A_1079 = arith.constant 0 : i32
          %parallel_loop3A_1080 = arith.constant 0 : i32
          %parallel_loop3A_1081 = tpu.memref_slice %run_scoped3A[%rem3A_484, %parallel_loop3A_1077, %parallel_loop3A_1078, %parallel_loop3A_1079, %parallel_loop3A_1080] : memref<2x2x1x64x128xf32, #tpu.memory_space<vmem>> -> memref<1x2x1x64x128xf32, #tpu.memory_space<vmem>>
          %parallel_loop3A_1082 = tpu.memref_squeeze %parallel_loop3A_1081 : memref<1x2x1x64x128xf32, #tpu.memory_space<vmem>> -> memref<2x1x64x128xf32, #tpu.memory_space<vmem>>
          %parallel_loop3A_1083 = arith.constant 0 : i32
          %parallel_loop3A_1084 = arith.constant 0 : i32
          %parallel_loop3A_1085 = tpu.memref_slice %parallel_loop3A_1082[%parallel_loop3A_1075, %parallel_loop3A_1076, %parallel_loop3A_1083, %parallel_loop3A_1084] : memref<2x1x64x128xf32, #tpu.memory_space<vmem>> -> memref<1x1x64x128xf32, #tpu.memory_space<vmem>>
          %parallel_loop3A_1086 = tpu.memref_squeeze %parallel_loop3A_1085 : memref<1x1x64x128xf32, #tpu.memory_space<vmem>> -> memref<64x128xf32, #tpu.memory_space<vmem>>
          %parallel_loop3A_1087 = tpu.vector_load_idx %parallel_loop3A_1086[%parallel_loop3A_1048, %add3A_515] : memref<64x128xf32, #tpu.memory_space<vmem>>[vector<16xi32>, vector<16xi32>], vector<16xf32>,
          %parallel_loop3A_1088 = arith.constant 1 : i32
          %parallel_loop3A_1089 = arith.constant 0 : i32
          %parallel_loop3A_1090 = arith.constant 0 : i32
          %parallel_loop3A_1091 = arith.constant 0 : i32
          %parallel_loop3A_1092 = arith.constant 0 : i32
          %parallel_loop3A_1093 = arith.constant 0 : i32
          %parallel_loop3A_1094 = tpu.memref_slice %run_scoped3A_10[%rem3A_488, %parallel_loop3A_1090, %parallel_loop3A_1091, %parallel_loop3A_1092, %parallel_loop3A_1093] : memref<2x2x1x64x128xf32, #tpu.memory_space<vmem>> -> memref<1x2x1x64x128xf32, #tpu.memory_space<vmem>>
          %parallel_loop3A_1095 = tpu.memref_squeeze %parallel_loop3A_1094 : memref<1x2x1x64x128xf32, #tpu.memory_space<vmem>> -> memref<2x1x64x128xf32, #tpu.memory_space<vmem>>
          %parallel_loop3A_1096 = arith.index_cast %parallel_loop3A_1088 : i32 to index
          %parallel_loop3A_1097 = arith.index_cast %parallel_loop3A_1089 : i32 to index
          %parallel_loop3A_1098 = arith.index_cast %parallel_loop3A_666 : i32 to index
          %parallel_loop3A_1099 = arith.constant 96 : index
          %parallel_loop3A_1100 = tpu.vector_load %parallel_loop3A_1095[%parallel_loop3A_1096, %parallel_loop3A_1097, %parallel_loop3A_1098, %parallel_loop3A_1099] {strides = array<i32>} : memref<2x1x64x128xf32, #tpu.memory_space<vmem>>, vector<16xf32>,
          tpu.vector_store %parallel_loop3A_1095[%parallel_loop3A_1096, %parallel_loop3A_1097, %parallel_loop3A_1098, %parallel_loop3A_1099], %parallel_loop3A_1087 {strides = array<i32>} : memref<2x1x64x128xf32, #tpu.memory_space<vmem>>, vector<16xf32>,
          %parallel_loop3A_1101 = arith.constant 0 : i32
          %parallel_loop3A_1102 = arith.constant 0 : i32
          %parallel_loop3A_1103 = arith.constant 0 : i32
          %parallel_loop3A_1104 = arith.constant 0 : i32
          %parallel_loop3A_1105 = tpu.memref_slice %run_scoped3A_8[%rem3A_486, %parallel_loop3A_1102, %parallel_loop3A_1103, %parallel_loop3A_1104] : memref<2x1x64x128xi32, #tpu.memory_space<vmem>> -> memref<1x1x64x128xi32, #tpu.memory_space<vmem>>
          %parallel_loop3A_1106 = tpu.memref_squeeze %parallel_loop3A_1105 : memref<1x1x64x128xi32, #tpu.memory_space<vmem>> -> memref<1x64x128xi32, #tpu.memory_space<vmem>>
          %parallel_loop3A_1107 = arith.index_cast %parallel_loop3A_1101 : i32 to index
          %parallel_loop3A_1108 = arith.index_cast %parallel_loop3A_666 : i32 to index
          %parallel_loop3A_1109 = arith.constant 112 : index
          %parallel_loop3A_1110 = tpu.vector_load %parallel_loop3A_1106[%parallel_loop3A_1107, %parallel_loop3A_1108, %parallel_loop3A_1109] {strides = array<i32>} : memref<1x64x128xi32, #tpu.memory_space<vmem>>, vector<16xi32>,
          %parallel_loop3A_1111 = arith.constant 0 : i32
          %parallel_loop3A_1112 = arith.constant 0 : i32
          %parallel_loop3A_1113 = arith.constant 0 : i32
          %parallel_loop3A_1114 = arith.constant 0 : i32
          %parallel_loop3A_1115 = arith.constant 0 : i32
          %parallel_loop3A_1116 = arith.constant 0 : i32
          %parallel_loop3A_1117 = tpu.memref_slice %run_scoped3A[%rem3A_484, %parallel_loop3A_1113, %parallel_loop3A_1114, %parallel_loop3A_1115, %parallel_loop3A_1116] : memref<2x2x1x64x128xf32, #tpu.memory_space<vmem>> -> memref<1x2x1x64x128xf32, #tpu.memory_space<vmem>>
          %parallel_loop3A_1118 = tpu.memref_squeeze %parallel_loop3A_1117 : memref<1x2x1x64x128xf32, #tpu.memory_space<vmem>> -> memref<2x1x64x128xf32, #tpu.memory_space<vmem>>
          %parallel_loop3A_1119 = arith.constant 0 : i32
          %parallel_loop3A_1120 = arith.constant 0 : i32
          %parallel_loop3A_1121 = tpu.memref_slice %parallel_loop3A_1118[%parallel_loop3A_1111, %parallel_loop3A_1112, %parallel_loop3A_1119, %parallel_loop3A_1120] : memref<2x1x64x128xf32, #tpu.memory_space<vmem>> -> memref<1x1x64x128xf32, #tpu.memory_space<vmem>>
          %parallel_loop3A_1122 = tpu.memref_squeeze %parallel_loop3A_1121 : memref<1x1x64x128xf32, #tpu.memory_space<vmem>> -> memref<64x128xf32, #tpu.memory_space<vmem>>
          %parallel_loop3A_1123 = tpu.vector_load_idx %parallel_loop3A_1122[%parallel_loop3A_1110, %add3A_519] : memref<64x128xf32, #tpu.memory_space<vmem>>[vector<16xi32>, vector<16xi32>], vector<16xf32>,
          %parallel_loop3A_1124 = arith.constant 0 : i32
          %parallel_loop3A_1125 = arith.constant 0 : i32
          %parallel_loop3A_1126 = arith.constant 0 : i32
          %parallel_loop3A_1127 = arith.constant 0 : i32
          %parallel_loop3A_1128 = arith.constant 0 : i32
          %parallel_loop3A_1129 = arith.constant 0 : i32
          %parallel_loop3A_1130 = tpu.memref_slice %run_scoped3A_10[%rem3A_488, %parallel_loop3A_1126, %parallel_loop3A_1127, %parallel_loop3A_1128, %parallel_loop3A_1129] : memref<2x2x1x64x128xf32, #tpu.memory_space<vmem>> -> memref<1x2x1x64x128xf32, #tpu.memory_space<vmem>>
          %parallel_loop3A_1131 = tpu.memref_squeeze %parallel_loop3A_1130 : memref<1x2x1x64x128xf32, #tpu.memory_space<vmem>> -> memref<2x1x64x128xf32, #tpu.memory_space<vmem>>
          %parallel_loop3A_1132 = arith.index_cast %parallel_loop3A_1124 : i32 to index
          %parallel_loop3A_1133 = arith.index_cast %parallel_loop3A_1125 : i32 to index
          %parallel_loop3A_1134 = arith.index_cast %parallel_loop3A_666 : i32 to index
          %parallel_loop3A_1135 = arith.constant 112 : index
          %parallel_loop3A_1136 = tpu.vector_load %parallel_loop3A_1131[%parallel_loop3A_1132, %parallel_loop3A_1133, %parallel_loop3A_1134, %parallel_loop3A_1135] {strides = array<i32>} : memref<2x1x64x128xf32, #tpu.memory_space<vmem>>, vector<16xf32>,
          tpu.vector_store %parallel_loop3A_1131[%parallel_loop3A_1132, %parallel_loop3A_1133, %parallel_loop3A_1134, %parallel_loop3A_1135], %parallel_loop3A_1123 {strides = array<i32>} : memref<2x1x64x128xf32, #tpu.memory_space<vmem>>, vector<16xf32>,
          %parallel_loop3A_1137 = arith.constant 1 : i32
          %parallel_loop3A_1138 = arith.constant 0 : i32
          %parallel_loop3A_1139 = arith.constant 0 : i32
          %parallel_loop3A_1140 = arith.constant 0 : i32
          %parallel_loop3A_1141 = arith.constant 0 : i32
          %parallel_loop3A_1142 = arith.constant 0 : i32
          %parallel_loop3A_1143 = tpu.memref_slice %run_scoped3A[%rem3A_484, %parallel_loop3A_1139, %parallel_loop3A_1140, %parallel_loop3A_1141, %parallel_loop3A_1142] : memref<2x2x1x64x128xf32, #tpu.memory_space<vmem>> -> memref<1x2x1x64x128xf32, #tpu.memory_space<vmem>>
          %parallel_loop3A_1144 = tpu.memref_squeeze %parallel_loop3A_1143 : memref<1x2x1x64x128xf32, #tpu.memory_space<vmem>> -> memref<2x1x64x128xf32, #tpu.memory_space<vmem>>
          %parallel_loop3A_1145 = arith.constant 0 : i32
          %parallel_loop3A_1146 = arith.constant 0 : i32
          %parallel_loop3A_1147 = tpu.memref_slice %parallel_loop3A_1144[%parallel_loop3A_1137, %parallel_loop3A_1138, %parallel_loop3A_1145, %parallel_loop3A_1146] : memref<2x1x64x128xf32, #tpu.memory_space<vmem>> -> memref<1x1x64x128xf32, #tpu.memory_space<vmem>>
          %parallel_loop3A_1148 = tpu.memref_squeeze %parallel_loop3A_1147 : memref<1x1x64x128xf32, #tpu.memory_space<vmem>> -> memref<64x128xf32, #tpu.memory_space<vmem>>
          %parallel_loop3A_1149 = tpu.vector_load_idx %parallel_loop3A_1148[%parallel_loop3A_1110, %add3A_519] : memref<64x128xf32, #tpu.memory_space<vmem>>[vector<16xi32>, vector<16xi32>], vector<16xf32>,
          %parallel_loop3A_1150 = arith.constant 1 : i32
          %parallel_loop3A_1151 = arith.constant 0 : i32
          %parallel_loop3A_1152 = arith.constant 0 : i32
          %parallel_loop3A_1153 = arith.constant 0 : i32
          %parallel_loop3A_1154 = arith.constant 0 : i32
          %parallel_loop3A_1155 = arith.constant 0 : i32
          %parallel_loop3A_1156 = tpu.memref_slice %run_scoped3A_10[%rem3A_488, %parallel_loop3A_1152, %parallel_loop3A_1153, %parallel_loop3A_1154, %parallel_loop3A_1155] : memref<2x2x1x64x128xf32, #tpu.memory_space<vmem>> -> memref<1x2x1x64x128xf32, #tpu.memory_space<vmem>>
          %parallel_loop3A_1157 = tpu.memref_squeeze %parallel_loop3A_1156 : memref<1x2x1x64x128xf32, #tpu.memory_space<vmem>> -> memref<2x1x64x128xf32, #tpu.memory_space<vmem>>
          %parallel_loop3A_1158 = arith.index_cast %parallel_loop3A_1150 : i32 to index
          %parallel_loop3A_1159 = arith.index_cast %parallel_loop3A_1151 : i32 to index
          %parallel_loop3A_1160 = arith.index_cast %parallel_loop3A_666 : i32 to index
          %parallel_loop3A_1161 = arith.constant 112 : index
          %parallel_loop3A_1162 = tpu.vector_load %parallel_loop3A_1157[%parallel_loop3A_1158, %parallel_loop3A_1159, %parallel_loop3A_1160, %parallel_loop3A_1161] {strides = array<i32>} : memref<2x1x64x128xf32, #tpu.memory_space<vmem>>, vector<16xf32>,
          tpu.vector_store %parallel_loop3A_1157[%parallel_loop3A_1158, %parallel_loop3A_1159, %parallel_loop3A_1160, %parallel_loop3A_1161], %parallel_loop3A_1149 {strides = array<i32>} : memref<2x1x64x128xf32, #tpu.memory_space<vmem>>, vector<16xf32>,
        } {sc.loop_unroll_factor = 4 : i64, sc.parallel_access}
        "tpu.trace_stop"() : () -> ()
        %ne3A_522 = arith.cmpi ne, %add3A_315, %add3A_369 : i32
        %ne3A_523 = arith.cmpi ne, %add3A_312, %add3A_366 : i32
        %ne3A_524 = arith.cmpi ne, %add3A_313, %add3A_367 : i32
        %or3A_525 = arith.constant false
        %or3A_526 = arith.ori %or3A_525, %ne3A_522 : i1
        %or3A_527 = arith.ori %or3A_526, %ne3A_523 : i1
        %or3A_528 = arith.constant false
        %or3A_529 = arith.ori %or3A_527, %or3A_528 : i1
        %or3A_530 = arith.ori %or3A_529, %ne3A_524 : i1
        %or3A_531 = arith.ori %or3A_530, %eq3A_310 : i1
        %convert_element_type3A_532 = arith.extui %or3A_531 : i1 to i32
        %cond3A_533 = arith.constant 0 : i32
        %cond3A_534 = arith.cmpi ne, %convert_element_type3A_532, %cond3A_533 : i32
        scf.if %cond3A_534 {
        } else {
        }
        %and3A_535 = arith.constant false
        %and3A_536 = arith.andi %or3A_531, %and3A_535 : i1
        %ne3A_537 = arith.cmpi ne, %add3A_312, %add3A_366 : i32
        %ne3A_538 = arith.cmpi ne, %add3A_313, %add3A_367 : i32
        %or3A_539 = arith.constant false
        %or3A_540 = arith.ori %or3A_539, %ne3A_537 : i1
        %or3A_541 = arith.constant false
        %or3A_542 = arith.ori %or3A_540, %or3A_541 : i1
        %or3A_543 = arith.ori %or3A_542, %ne3A_538 : i1
        %or3A_544 = arith.ori %or3A_543, %eq3A_310 : i1
        %convert_element_type3A_545 = arith.extui %or3A_544 : i1 to i32
        %cond3A_546 = arith.constant 0 : i32
        %cond3A_547 = arith.cmpi ne, %convert_element_type3A_545, %cond3A_546 : i32
        scf.if %cond3A_547 {
        } else {
        }
        %and3A_548 = arith.constant false
        %and3A_549 = arith.andi %or3A_544, %and3A_548 : i1
        %ne3A_550 = arith.cmpi ne, %add3A_315, %add3A_369 : i32
        %ne3A_551 = arith.cmpi ne, %add3A_312, %add3A_366 : i32
        %ne3A_552 = arith.cmpi ne, %add3A_313, %add3A_367 : i32
        %or3A_553 = arith.constant false
        %or3A_554 = arith.ori %or3A_553, %ne3A_550 : i1
        %or3A_555 = arith.ori %or3A_554, %ne3A_551 : i1
        %or3A_556 = arith.constant false
        %or3A_557 = arith.ori %or3A_555, %or3A_556 : i1
        %or3A_558 = arith.ori %or3A_557, %ne3A_552 : i1
        %or3A_559 = arith.ori %or3A_558, %eq3A_310 : i1
        %convert_element_type3A_560 = arith.extui %or3A_559 : i1 to i32
        %cond3A_561 = arith.constant 0 : i32
        %cond3A_562 = arith.cmpi ne, %convert_element_type3A_560, %cond3A_561 : i32
        scf.if %cond3A_562 {
          "tpu.trace_start"() <{level = 10 : i32, message = "ep_copy_out"}> : () -> ()
          %rem3A_666 = arith.constant 2 : i32
          %rem3A_667 = arith.remui %scan3A_302, %rem3A_666 : i32
          %mul3A_668 = arith.constant 2 : i32
          %mul3A_669 = arith.muli %mul3A_668, %add3A_315 : i32
          %mul3A_670 = arith.constant 1 : i32
          %mul3A_671 = arith.muli %mul3A_670, %add3A_312 : i32
          %mul3A_672 = arith.constant 128 : i32
          %mul3A_673 = arith.muli %mul3A_672, %add3A_313 : i32
          %dma_start3A_674 = arith.constant 0 : i32
          %dma_start3A_675 = arith.constant 0 : i32
          %dma_start3A_676 = arith.constant 0 : i32
          %dma_start3A_677 = arith.constant 0 : i32
          %dma_start3A_678 = tpu.memref_slice %run_scoped3A_10[%rem3A_667, %dma_start3A_674, %dma_start3A_675, %dma_start3A_676, %dma_start3A_677] : memref<2x2x1x64x128xf32, #tpu.memory_space<vmem>> -> memref<1x2x1x64x128xf32, #tpu.memory_space<vmem>>
          %dma_start3A_679 = tpu.memref_squeeze %dma_start3A_678 : memref<1x2x1x64x128xf32, #tpu.memory_space<vmem>> -> memref<2x1x64x128xf32, #tpu.memory_space<vmem>>
          %dma_start3A_680 = arith.constant 0 : i32
          %dma_start3A_681 = tpu.memref_slice %arg4[%mul3A_669, %mul3A_671, %dma_start3A_680, %mul3A_673] : memref<4x16x64x8192xf32, #tpu.memory_space<hbm>> -> memref<2x1x64x128xf32, #tpu.memory_space<hbm>>
          %dma_start3A_682 = tpu.memref_slice %run_scoped3A_11[%rem3A_667] : memref<2x!tpu.dma_semaphore, #tpu.memory_space<semaphore_mem>> -> memref<1x!tpu.dma_semaphore, #tpu.memory_space<semaphore_mem>>
          %dma_start3A_683 = tpu.memref_squeeze %dma_start3A_682 : memref<1x!tpu.dma_semaphore, #tpu.memory_space<semaphore_mem>> -> memref<!tpu.dma_semaphore, #tpu.memory_space<semaphore_mem>>
          %dma_start3A_684 = arith.constant 0 : i32
          %dma_start3A_685 = tpu.memref_slice %arg4[%mul3A_669, %mul3A_671, %dma_start3A_684, %mul3A_673] : memref<4x16x64x8192xf32, #tpu.memory_space<hbm>> -> memref<2x1x64x128xf32, #tpu.memory_space<hbm>>
          %dma_start3A_686 = arith.constant 0 : i32
          %dma_start3A_687 = arith.constant 0 : i32
          %dma_start3A_688 = arith.constant 0 : i32
          %dma_start3A_689 = arith.constant 0 : i32
          %dma_start3A_690 = tpu.memref_slice %run_scoped3A_10[%rem3A_667, %dma_start3A_686, %dma_start3A_687, %dma_start3A_688, %dma_start3A_689] : memref<2x2x1x64x128xf32, #tpu.memory_space<vmem>> -> memref<1x2x1x64x128xf32, #tpu.memory_space<vmem>>
          %dma_start3A_691 = tpu.memref_squeeze %dma_start3A_690 : memref<1x2x1x64x128xf32, #tpu.memory_space<vmem>> -> memref<2x1x64x128xf32, #tpu.memory_space<vmem>>
          tpu.enqueue_dma source(%dma_start3A_691 : memref<2x1x64x128xf32, #tpu.memory_space<vmem>>) target(%dma_start3A_685 : memref<2x1x64x128xf32, #tpu.memory_space<hbm>>) target_semaphore(%dma_start3A_683 : memref<!tpu.dma_semaphore, #tpu.memory_space<semaphore_mem>>)
          "tpu.trace_stop"() : () -> ()
        } else {
        }
        %and3A_563 = arith.constant true
        %and3A_564 = arith.andi %or3A_559, %and3A_563 : i1
        %add3A_565 = arith.constant 1 : i32
        %add3A_566 = arith.addi %scan3A_302, %add3A_565 : i32
        %select_n3A_567 = arith.select %and3A_564, %add3A_566, %scan3A_302 : i32
        %ne3A_568 = arith.cmpi ne, %add3A_315, %add3A_342 : i32
        %ne3A_569 = arith.cmpi ne, %add3A_312, %add3A_339 : i32
        %ne3A_570 = arith.cmpi ne, %add3A_313, %add3A_340 : i32
        %or3A_571 = arith.constant false
        %or3A_572 = arith.ori %or3A_571, %ne3A_568 : i1
        %or3A_573 = arith.ori %or3A_572, %ne3A_569 : i1
        %or3A_574 = arith.constant false
        %or3A_575 = arith.ori %or3A_573, %or3A_574 : i1
        %or3A_576 = arith.ori %or3A_575, %ne3A_570 : i1
        %not3A_577 = arith.constant true
        %not3A_578 = arith.xori %eq3A_308, %not3A_577 : i1
        %and3A_579 = arith.andi %or3A_576, %not3A_578 : i1
        %convert_element_type3A_580 = arith.extui %and3A_579 : i1 to i32
        %cond3A_581 = arith.constant 0 : i32
        %cond3A_582 = arith.cmpi ne, %convert_element_type3A_580, %cond3A_581 : i32
        scf.if %cond3A_582 {
        } else {
        }
        %and3A_583 = arith.constant false
        %and3A_584 = arith.andi %and3A_579, %and3A_583 : i1
        %ne3A_585 = arith.cmpi ne, %add3A_312, %add3A_339 : i32
        %ne3A_586 = arith.cmpi ne, %add3A_313, %add3A_340 : i32
        %or3A_587 = arith.constant false
        %or3A_588 = arith.ori %or3A_587, %ne3A_585 : i1
        %or3A_589 = arith.constant false
        %or3A_590 = arith.ori %or3A_588, %or3A_589 : i1
        %or3A_591 = arith.ori %or3A_590, %ne3A_586 : i1
        %not3A_592 = arith.constant true
        %not3A_593 = arith.xori %eq3A_308, %not3A_592 : i1
        %and3A_594 = arith.andi %or3A_591, %not3A_593 : i1
        %convert_element_type3A_595 = arith.extui %and3A_594 : i1 to i32
        %cond3A_596 = arith.constant 0 : i32
        %cond3A_597 = arith.cmpi ne, %convert_element_type3A_595, %cond3A_596 : i32
        scf.if %cond3A_597 {
        } else {
        }
        %and3A_598 = arith.constant false
        %and3A_599 = arith.andi %and3A_594, %and3A_598 : i1
        %ne3A_600 = arith.cmpi ne, %add3A_315, %add3A_342 : i32
        %ne3A_601 = arith.cmpi ne, %add3A_312, %add3A_339 : i32
        %ne3A_602 = arith.cmpi ne, %add3A_313, %add3A_340 : i32
        %or3A_603 = arith.constant false
        %or3A_604 = arith.ori %or3A_603, %ne3A_600 : i1
        %or3A_605 = arith.ori %or3A_604, %ne3A_601 : i1
        %or3A_606 = arith.constant false
        %or3A_607 = arith.ori %or3A_605, %or3A_606 : i1
        %or3A_608 = arith.ori %or3A_607, %ne3A_602 : i1
        %not3A_609 = arith.constant true
        %not3A_610 = arith.xori %eq3A_308, %not3A_609 : i1
        %and3A_611 = arith.andi %or3A_608, %not3A_610 : i1
        %convert_element_type3A_612 = arith.extui %and3A_611 : i1 to i32
        %cond3A_613 = arith.constant 0 : i32
        %cond3A_614 = arith.cmpi ne, %convert_element_type3A_612, %cond3A_613 : i32
        scf.if %cond3A_614 {
          "tpu.trace_start"() <{level = 10 : i32, message = "ep_wait_out"}> : () -> ()
          %rem3A_666 = arith.constant 2 : i32
          %rem3A_667 = arith.remui %scan3A_303, %rem3A_666 : i32
          %mul3A_668 = arith.constant 2 : i32
          %mul3A_669 = arith.muli %mul3A_668, %add3A_342 : i32
          %mul3A_670 = arith.constant 1 : i32
          %mul3A_671 = arith.muli %mul3A_670, %add3A_339 : i32
          %mul3A_672 = arith.constant 128 : i32
          %mul3A_673 = arith.muli %mul3A_672, %add3A_340 : i32
          %dma_wait3A_674 = arith.constant 0 : i32
          %dma_wait3A_675 = arith.constant 0 : i32
          %dma_wait3A_676 = arith.constant 0 : i32
          %dma_wait3A_677 = arith.constant 0 : i32
          %dma_wait3A_678 = tpu.memref_slice %run_scoped3A_10[%rem3A_667, %dma_wait3A_674, %dma_wait3A_675, %dma_wait3A_676, %dma_wait3A_677] : memref<2x2x1x64x128xf32, #tpu.memory_space<vmem>> -> memref<1x2x1x64x128xf32, #tpu.memory_space<vmem>>
          %dma_wait3A_679 = tpu.memref_squeeze %dma_wait3A_678 : memref<1x2x1x64x128xf32, #tpu.memory_space<vmem>> -> memref<2x1x64x128xf32, #tpu.memory_space<vmem>>
          %dma_wait3A_680 = arith.constant 0 : i32
          %dma_wait3A_681 = tpu.memref_slice %arg4[%mul3A_669, %mul3A_671, %dma_wait3A_680, %mul3A_673] : memref<4x16x64x8192xf32, #tpu.memory_space<hbm>> -> memref<2x1x64x128xf32, #tpu.memory_space<hbm>>
          %dma_wait3A_682 = tpu.memref_slice %run_scoped3A_11[%rem3A_667] : memref<2x!tpu.dma_semaphore, #tpu.memory_space<semaphore_mem>> -> memref<1x!tpu.dma_semaphore, #tpu.memory_space<semaphore_mem>>
          %dma_wait3A_683 = tpu.memref_squeeze %dma_wait3A_682 : memref<1x!tpu.dma_semaphore, #tpu.memory_space<semaphore_mem>> -> memref<!tpu.dma_semaphore, #tpu.memory_space<semaphore_mem>>
          %dma_wait3A_684 = arith.constant 0 : i32
          %dma_wait3A_685 = tpu.memref_slice %arg4[%mul3A_669, %mul3A_671, %dma_wait3A_684, %mul3A_673] : memref<4x16x64x8192xf32, #tpu.memory_space<hbm>> -> memref<2x1x64x128xf32, #tpu.memory_space<hbm>>
          %dma_wait3A_686 = arith.constant 0 : i32
          %dma_wait3A_687 = arith.constant 0 : i32
          %dma_wait3A_688 = arith.constant 0 : i32
          %dma_wait3A_689 = arith.constant 0 : i32
          %dma_wait3A_690 = tpu.memref_slice %run_scoped3A_10[%rem3A_667, %dma_wait3A_686, %dma_wait3A_687, %dma_wait3A_688, %dma_wait3A_689] : memref<2x2x1x64x128xf32, #tpu.memory_space<vmem>> -> memref<1x2x1x64x128xf32, #tpu.memory_space<vmem>>
          %dma_wait3A_691 = tpu.memref_squeeze %dma_wait3A_690 : memref<1x2x1x64x128xf32, #tpu.memory_space<vmem>> -> memref<2x1x64x128xf32, #tpu.memory_space<vmem>>
          tpu.wait_dma2 semaphore(%dma_wait3A_683 : memref<!tpu.dma_semaphore, #tpu.memory_space<semaphore_mem>>) src(%dma_wait3A_691 : memref<2x1x64x128xf32, #tpu.memory_space<vmem>>) dst(%dma_wait3A_685 : memref<2x1x64x128xf32, #tpu.memory_space<hbm>>)
          "tpu.trace_stop"() : () -> ()
        } else {
        }
        %and3A_615 = arith.constant true
        %and3A_616 = arith.andi %and3A_611, %and3A_615 : i1
        %add3A_617 = arith.constant 1 : i32
        %add3A_618 = arith.addi %scan3A_303, %add3A_617 : i32
        %select_n3A_619 = arith.select %and3A_616, %add3A_618, %scan3A_303 : i32
        %ne3A_620 = arith.cmpi ne, %add3A_315, %add3A_369 : i32
        %ne3A_621 = arith.cmpi ne, %add3A_312, %add3A_366 : i32
        %ne3A_622 = arith.cmpi ne, %add3A_313, %add3A_367 : i32
        %or3A_623 = arith.constant false
        %or3A_624 = arith.ori %or3A_623, %ne3A_620 : i1
        %or3A_625 = arith.ori %or3A_624, %ne3A_621 : i1
        %or3A_626 = arith.constant false
        %or3A_627 = arith.ori %or3A_625, %or3A_626 : i1
        %or3A_628 = arith.ori %or3A_627, %ne3A_622 : i1
        %or3A_629 = arith.ori %or3A_628, %eq3A_310 : i1
        %add3A_630 = arith.constant 1 : i32
        %add3A_631 = arith.addi %scan3A_299, %add3A_630 : i32
        %select_n3A_632 = arith.select %or3A_629, %add3A_631, %scan3A_299 : i32
        %ne3A_633 = arith.cmpi ne, %add3A_312, %add3A_366 : i32
        %ne3A_634 = arith.cmpi ne, %add3A_313, %add3A_367 : i32
        %or3A_635 = arith.constant false
        %or3A_636 = arith.ori %or3A_635, %ne3A_633 : i1
        %or3A_637 = arith.constant false
        %or3A_638 = arith.ori %or3A_636, %or3A_637 : i1
        %or3A_639 = arith.ori %or3A_638, %ne3A_634 : i1
        %or3A_640 = arith.ori %or3A_639, %eq3A_310 : i1
        %add3A_641 = arith.constant 1 : i32
        %add3A_642 = arith.addi %scan3A_301, %add3A_641 : i32
        %select_n3A_643 = arith.select %or3A_640, %add3A_642, %scan3A_301 : i32
        %add3A_644 = arith.constant 1 : i32
        %add3A_645 = arith.addi %scan3A_306, %add3A_644 : i32
        %select_n3A_646 = arith.constant true
        %select_n3A_647 = arith.select %select_n3A_646, %add3A_645, %scan3A_306 : i32
        %eq3A_648 = arith.constant 2 : i32
        %eq3A_649 = arith.cmpi eq, %select_n3A_647, %eq3A_648 : i32
        %select_n3A_650 = arith.constant 0 : i32
        %select_n3A_651 = arith.select %eq3A_649, %select_n3A_650, %select_n3A_647 : i32
        %add3A_652 = arith.constant 1 : i32
        %add3A_653 = arith.addi %scan3A_305, %add3A_652 : i32
        %select_n3A_654 = arith.select %eq3A_649, %add3A_653, %scan3A_305 : i32
        %eq3A_655 = arith.constant 2 : i32
        %eq3A_656 = arith.cmpi eq, %select_n3A_654, %eq3A_655 : i32
        %select_n3A_657 = arith.constant 0 : i32
        %select_n3A_658 = arith.select %eq3A_656, %select_n3A_657, %select_n3A_654 : i32
        %add3A_659 = arith.constant 1 : i32
        %add3A_660 = arith.addi %scan3A_304, %add3A_659 : i32
        %select_n3A_661 = arith.select %eq3A_656, %add3A_660, %scan3A_304 : i32
        %eq3A_662 = arith.constant 16 : i32
        %eq3A_663 = arith.cmpi eq, %select_n3A_661, %eq3A_662 : i32
        %select_n3A_664 = arith.constant 0 : i32
        %select_n3A_665 = arith.select %eq3A_663, %select_n3A_664, %select_n3A_661 : i32
        scf.yield %select_n3A_411, %select_n3A_632, %select_n3A_431, %select_n3A_643, %select_n3A_567, %select_n3A_619, %select_n3A_665, %select_n3A_658, %select_n3A_651 : i32, i32, i32, i32, i32, i32, i32, i32, i32
      }
      %scan3A_164 = arith.constant 64 : i32
      %sub3A = arith.constant 1 : i32
      %sub3A_165 = arith.subi %scan3A_163#8, %sub3A : i32
      %select_n3A_166 = arith.constant true
      %select_n3A_167 = arith.select %select_n3A_166, %sub3A_165, %scan3A_163#8 : i32
      %eq3A_168 = arith.constant -1 : i32
      %eq3A_169 = arith.cmpi eq, %select_n3A_167, %eq3A_168 : i32
      %select_n3A_170 = arith.constant 1 : i32
      %select_n3A_171 = arith.select %eq3A_169, %select_n3A_170, %select_n3A_167 : i32
      %sub3A_172 = arith.constant 1 : i32
      %sub3A_173 = arith.subi %scan3A_163#7, %sub3A_172 : i32
      %select_n3A_174 = arith.select %eq3A_169, %sub3A_173, %scan3A_163#7 : i32
      %eq3A_175 = arith.constant -1 : i32
      %eq3A_176 = arith.cmpi eq, %select_n3A_174, %eq3A_175 : i32
      %select_n3A_177 = arith.constant 1 : i32
      %select_n3A_178 = arith.select %eq3A_176, %select_n3A_177, %select_n3A_174 : i32
      %sub3A_179 = arith.constant 1 : i32
      %sub3A_180 = arith.subi %scan3A_163#6, %sub3A_179 : i32
      %select_n3A_181 = arith.select %eq3A_176, %sub3A_180, %scan3A_163#6 : i32
      %eq3A_182 = arith.constant -1 : i32
      %eq3A_183 = arith.cmpi eq, %select_n3A_181, %eq3A_182 : i32
      %select_n3A_184 = arith.constant 15 : i32
      %select_n3A_185 = arith.select %eq3A_183, %select_n3A_184, %select_n3A_181 : i32
      %add3A_186 = arith.constant 0 : i32
      %add3A_187 = arith.addi %select_n3A_185, %add3A_186 : i32
      %add3A_188 = arith.addi %select_n3A_178, %mul3A_6 : i32
      %add3A_189 = arith.constant 0 : i32
      %add3A_190 = arith.addi %select_n3A_171, %add3A_189 : i32
      %sub3A_191 = arith.constant 1 : i32
      %sub3A_192 = arith.subi %select_n3A_171, %sub3A_191 : i32
      %select_n3A_193 = arith.constant true
      %select_n3A_194 = arith.select %select_n3A_193, %sub3A_192, %select_n3A_171 : i32
      %eq3A_195 = arith.constant -1 : i32
      %eq3A_196 = arith.cmpi eq, %select_n3A_194, %eq3A_195 : i32
      %select_n3A_197 = arith.constant 1 : i32
      %select_n3A_198 = arith.select %eq3A_196, %select_n3A_197, %select_n3A_194 : i32
      %sub3A_199 = arith.constant 1 : i32
      %sub3A_200 = arith.subi %select_n3A_178, %sub3A_199 : i32
      %select_n3A_201 = arith.select %eq3A_196, %sub3A_200, %select_n3A_178 : i32
      %eq3A_202 = arith.constant -1 : i32
      %eq3A_203 = arith.cmpi eq, %select_n3A_201, %eq3A_202 : i32
      %select_n3A_204 = arith.constant 1 : i32
      %select_n3A_205 = arith.select %eq3A_203, %select_n3A_204, %select_n3A_201 : i32
      %sub3A_206 = arith.constant 1 : i32
      %sub3A_207 = arith.subi %select_n3A_185, %sub3A_206 : i32
      %select_n3A_208 = arith.select %eq3A_203, %sub3A_207, %select_n3A_185 : i32
      %eq3A_209 = arith.constant -1 : i32
      %eq3A_210 = arith.cmpi eq, %select_n3A_208, %eq3A_209 : i32
      %select_n3A_211 = arith.constant 15 : i32
      %select_n3A_212 = arith.select %eq3A_210, %select_n3A_211, %select_n3A_208 : i32
      %add3A_213 = arith.constant 0 : i32
      %add3A_214 = arith.addi %select_n3A_212, %add3A_213 : i32
      %add3A_215 = arith.addi %select_n3A_205, %mul3A_6 : i32
      %add3A_216 = arith.constant 0 : i32
      %add3A_217 = arith.addi %select_n3A_198, %add3A_216 : i32
      %add3A_218 = arith.constant 1 : i32
      %add3A_219 = arith.addi %select_n3A_171, %add3A_218 : i32
      %select_n3A_220 = arith.constant true
      %select_n3A_221 = arith.select %select_n3A_220, %add3A_219, %select_n3A_171 : i32
      %eq3A_222 = arith.constant 2 : i32
      %eq3A_223 = arith.cmpi eq, %select_n3A_221, %eq3A_222 : i32
      %select_n3A_224 = arith.constant 0 : i32
      %select_n3A_225 = arith.select %eq3A_223, %select_n3A_224, %select_n3A_221 : i32
      %add3A_226 = arith.constant 1 : i32
      %add3A_227 = arith.addi %select_n3A_178, %add3A_226 : i32
      %select_n3A_228 = arith.select %eq3A_223, %add3A_227, %select_n3A_178 : i32
      %eq3A_229 = arith.constant 2 : i32
      %eq3A_230 = arith.cmpi eq, %select_n3A_228, %eq3A_229 : i32
      %select_n3A_231 = arith.constant 0 : i32
      %select_n3A_232 = arith.select %eq3A_230, %select_n3A_231, %select_n3A_228 : i32
      %add3A_233 = arith.constant 1 : i32
      %add3A_234 = arith.addi %select_n3A_185, %add3A_233 : i32
      %select_n3A_235 = arith.select %eq3A_230, %add3A_234, %select_n3A_185 : i32
      %eq3A_236 = arith.constant 16 : i32
      %eq3A_237 = arith.cmpi eq, %select_n3A_235, %eq3A_236 : i32
      %select_n3A_238 = arith.constant 0 : i32
      %select_n3A_239 = arith.select %eq3A_237, %select_n3A_238, %select_n3A_235 : i32
      %add3A_240 = arith.constant 0 : i32
      %add3A_241 = arith.addi %select_n3A_239, %add3A_240 : i32
      %add3A_242 = arith.addi %select_n3A_232, %mul3A_6 : i32
      %add3A_243 = arith.constant 0 : i32
      %add3A_244 = arith.addi %select_n3A_225, %add3A_243 : i32
      %add3A_245 = arith.constant 1 : i32
      %add3A_246 = arith.addi %select_n3A_225, %add3A_245 : i32
      %select_n3A_247 = arith.constant true
      %select_n3A_248 = arith.select %select_n3A_247, %add3A_246, %select_n3A_225 : i32
      %eq3A_249 = arith.constant 2 : i32
      %eq3A_250 = arith.cmpi eq, %select_n3A_248, %eq3A_249 : i32
      %select_n3A_251 = arith.constant 0 : i32
      %select_n3A_252 = arith.select %eq3A_250, %select_n3A_251, %select_n3A_248 : i32
      %add3A_253 = arith.constant 1 : i32
      %add3A_254 = arith.addi %select_n3A_232, %add3A_253 : i32
      %select_n3A_255 = arith.select %eq3A_250, %add3A_254, %select_n3A_232 : i32
      %eq3A_256 = arith.constant 2 : i32
      %eq3A_257 = arith.cmpi eq, %select_n3A_255, %eq3A_256 : i32
      %select_n3A_258 = arith.constant 0 : i32
      %select_n3A_259 = arith.select %eq3A_257, %select_n3A_258, %select_n3A_255 : i32
      %add3A_260 = arith.constant 1 : i32
      %add3A_261 = arith.addi %select_n3A_239, %add3A_260 : i32
      %select_n3A_262 = arith.select %eq3A_257, %add3A_261, %select_n3A_239 : i32
      %eq3A_263 = arith.constant 16 : i32
      %eq3A_264 = arith.cmpi eq, %select_n3A_262, %eq3A_263 : i32
      %select_n3A_265 = arith.constant 0 : i32
      %select_n3A_266 = arith.select %eq3A_264, %select_n3A_265, %select_n3A_262 : i32
      %add3A_267 = arith.constant 0 : i32
      %add3A_268 = arith.addi %select_n3A_266, %add3A_267 : i32
      %add3A_269 = arith.addi %select_n3A_259, %mul3A_6 : i32
      %add3A_270 = arith.constant 0 : i32
      %add3A_271 = arith.addi %select_n3A_252, %add3A_270 : i32
      "tpu.trace_start"() <{level = 10 : i32, message = "ep_finalize"}> : () -> ()
      %rem3A_272 = arith.constant 2 : i32
      %rem3A_273 = arith.remui %scan3A_163#5, %rem3A_272 : i32
      %mul3A_274 = arith.constant 2 : i32
      %mul3A_275 = arith.muli %mul3A_274, %add3A_190 : i32
      %mul3A_276 = arith.constant 1 : i32
      %mul3A_277 = arith.muli %mul3A_276, %add3A_187 : i32
      %mul3A_278 = arith.constant 128 : i32
      %mul3A_279 = arith.muli %mul3A_278, %add3A_188 : i32
      %dma_wait3A = arith.constant 0 : i32
      %dma_wait3A_280 = arith.constant 0 : i32
      %dma_wait3A_281 = arith.constant 0 : i32
      %dma_wait3A_282 = arith.constant 0 : i32
      %dma_wait3A_283 = tpu.memref_slice %run_scoped3A_10[%rem3A_273, %dma_wait3A, %dma_wait3A_280, %dma_wait3A_281, %dma_wait3A_282] : memref<2x2x1x64x128xf32, #tpu.memory_space<vmem>> -> memref<1x2x1x64x128xf32, #tpu.memory_space<vmem>>
      %dma_wait3A_284 = tpu.memref_squeeze %dma_wait3A_283 : memref<1x2x1x64x128xf32, #tpu.memory_space<vmem>> -> memref<2x1x64x128xf32, #tpu.memory_space<vmem>>
      %dma_wait3A_285 = arith.constant 0 : i32
      %dma_wait3A_286 = tpu.memref_slice %arg4[%mul3A_275, %mul3A_277, %dma_wait3A_285, %mul3A_279] : memref<4x16x64x8192xf32, #tpu.memory_space<hbm>> -> memref<2x1x64x128xf32, #tpu.memory_space<hbm>>
      %dma_wait3A_287 = tpu.memref_slice %run_scoped3A_11[%rem3A_273] : memref<2x!tpu.dma_semaphore, #tpu.memory_space<semaphore_mem>> -> memref<1x!tpu.dma_semaphore, #tpu.memory_space<semaphore_mem>>
      %dma_wait3A_288 = tpu.memref_squeeze %dma_wait3A_287 : memref<1x!tpu.dma_semaphore, #tpu.memory_space<semaphore_mem>> -> memref<!tpu.dma_semaphore, #tpu.memory_space<semaphore_mem>>
      %dma_wait3A_289 = arith.constant 0 : i32
      %dma_wait3A_290 = tpu.memref_slice %arg4[%mul3A_275, %mul3A_277, %dma_wait3A_289, %mul3A_279] : memref<4x16x64x8192xf32, #tpu.memory_space<hbm>> -> memref<2x1x64x128xf32, #tpu.memory_space<hbm>>
      %dma_wait3A_291 = arith.constant 0 : i32
      %dma_wait3A_292 = arith.constant 0 : i32
      %dma_wait3A_293 = arith.constant 0 : i32
      %dma_wait3A_294 = arith.constant 0 : i32
      %dma_wait3A_295 = tpu.memref_slice %run_scoped3A_10[%rem3A_273, %dma_wait3A_291, %dma_wait3A_292, %dma_wait3A_293, %dma_wait3A_294] : memref<2x2x1x64x128xf32, #tpu.memory_space<vmem>> -> memref<1x2x1x64x128xf32, #tpu.memory_space<vmem>>
      %dma_wait3A_296 = tpu.memref_squeeze %dma_wait3A_295 : memref<1x2x1x64x128xf32, #tpu.memory_space<vmem>> -> memref<2x1x64x128xf32, #tpu.memory_space<vmem>>
      tpu.wait_dma2 semaphore(%dma_wait3A_288 : memref<!tpu.dma_semaphore, #tpu.memory_space<semaphore_mem>>) src(%dma_wait3A_296 : memref<2x1x64x128xf32, #tpu.memory_space<vmem>>) dst(%dma_wait3A_290 : memref<2x1x64x128xf32, #tpu.memory_space<hbm>>)
      "tpu.trace_stop"() : () -> ()
      tpu.yield
    }) : () -> ()
    return
  }
}

</mosaic_0001>

<sc_bundles>
// kernel: kernel.3.cloned.1.call-start
scs
__scs_entry_jumppad:
0x0: {  	(pc) =	sbr.rel $0x88, $3  }
0x1: {  	(tag) =	ssettag $0x0;
	lr =	simm.s32 $0x1  }
0x2: {  	[smem:$0x3F9F] =	sst lr;
	_ =	strace $0xD0000000  }
0x3: {  	_ = 	snop  }
0x4: {  	_ = 	snop  }
0x5: {  	_ = 	snop  }
0x6: {  	_ = 	snop  }
0x7: {  	_ = 	snop  }
__scs_overlays_trampoline_lowered:
0x8: {  	[smem:$0x3FAE] =	sst s0  }
0x9: {  	[smem:$0x3FAF] =	sst s1  }
0xa: {  	[smem:$0x3FB0] =	sst s2  }
0xb: {  	[smem:$0x3FB1] =	sst s3  }
0xc: {  	[smem:$0x3FB2] =	sst s4  }
0xd: {  	[smem:$0x3FB3] =	sst s5  }
0xe: {  	[smem:$0x3FB4] =	sst s6  }
0xf: {  	[smem:$0x3FB5] =	sst s7  }
0x10: {  	[smem:$0x3FB6] =	sst s8  }
0x11: {  	[smem:$0x3FB7] =	sst s9;
	s0 =	simm.s32 @!p0 $0x0  }
0x12: {  	s1 =	sld [smem:$0x3F9D];
	s0 =	simm.s32 @p0 $0x1  }
0x13: {  	[smem:$0x3FB8] =	sst s0;
	s0 =	simm.s32 @!p1 $0x0  }
0x14: {  	s2 =	sld [smem:$0x3F9C];
	s0 =	simm.s32 @p1 $0x1  }
0x15: {  	[smem:$0x3FB9] =	sst s0;
	s0 =	simm.s32 @!p2 $0x0  }
0x16: {  	s3 =	sld [smem:$0x3FDB];
	s0 =	simm.s32 @p2 $0x1  }
0x17: {  	s4 =	simm.s32 $0x1BF5;
	[smem:$0x3FBB] =	sst s0  }
0x18: {  	s0 =	sld [smem:$0x3F9E];
	_ =	swait.ge [sflag:s4], $0x0  }
0x19: {  	s7 =	sld [smem:$0x3F9F]  }
0x1a: {  	s8 =	sadd.s32 $0xFFFFE003, lr  }
0x1b: {  	s9 =	sadd.s32 $0xFFFFFEF7, lr;
	s5 =	simm.s32 $0xFFFFFFFF;
	p2 =	slt.u32 s8, $0xFFFFF086  }
0x1c: {  	p1 =	slt.u32 s9, $0xF7A;
	s5 =	simm.s32 @!p2 $0x0  }
0x1d: {  	s5 =	simm.s32 @p1 $0x1;
	p0 =	seq.s32 s7, s2  }
0x1e: {  	s7 =	smul.u32 @!p0 $0xF7A, s2;
	p2 =	seq.s32 @!p0 s5, $0x0  }
0x1f: {  	s9 =	smul.u32 $0xF7A, s1;
	s8 =	simm.s32 @!p0 $0x1BF5;
	p2 =	por !p2, p0  }
0x20: {  	[sflag:s8] =	ssyncset.s32 @!p0 $0xFFFFF086;
	s6 =	sadd.s32 @!p0 s3, s7;
	s7 =	simm.s32 @!p0 $0x108  }
0x21: {  	s3 =	sadd.s32 s3, s9;
	s6 =	sadd.s32 @!p0 $0x88, s6;
	s7 =	simm.s32 @p2 $0x1082  }
0x22: {  	[simem:s7], [sflag:s8] =	dma.local @!p0 [hbm:s6], $0xF7A  }
0x23: {  	s9 =	sor.u32 $0xD0000000, s2;
	s6 =	simm.s32 $0x108;
	_ =	swait.ge @!p0 [sflag:s8], $0x0  }
0x24: {  	s3 =	sadd.s32 $0x88, s3;
	s6 =	simm.s32 @!p1 $0x1082;
	[sflag:s4] =	ssyncset.s32 $0xFFFFF086  }
0x25: {  	[simem:s6], [sflag:s4] =	dma.local [hbm:s3], $0xF7A  }
0x26: {  	[smem:$0x3F9F] =	sst s1;
	(tag) =	ssettag s2;
	_ =	strace s9  }
0x27: {  	s1 =	sld [smem:$0x3FAF]  }
0x28: {  	s2 =	sld [smem:$0x3FB0]  }
0x29: {  	s4 =	sld [smem:$0x3FB2]  }
0x2a: {  	p0 =	seq.s32 s5, $0x0;
	s5 =	sld [smem:$0x3FB3]  }
0x2b: {  	s6 =	sld [smem:$0x3FB4]  }
0x2c: {  	s7 =	sld [smem:$0x3FB5]  }
0x2d: {  	s3 =	simm.s32 $0x108;
	s8 =	sld [smem:$0x3FB6]  }
0x2e: {  	s3 =	simm.s32 @!p0 $0x1082;
	s9 =	sld [smem:$0x3FB7]  }
0x2f: {  	lr =	sadd.s32 s0, s3;
	s0 =	sld [smem:$0x3FAE]  }
0x30: {  	s3 =	sld [smem:$0x3FB1]  }
0x31: {  	[smem:$0x3FBA] =	sst s10  }
0x32: {  	s10 =	sld [smem:$0x3FB8];
	_ =	sdelay $0x3  }
0x33: {  	p0 =	seq.s32 s10, $0x1;
	s10 =	sld [smem:$0x3FBA];
	_ =	sdelay $0x3  }
0x34: {  	[smem:$0x3FBA] =	sst s10  }
0x35: {  	s10 =	sld [smem:$0x3FB9];
	_ =	sdelay $0x3  }
0x36: {  	p1 =	seq.s32 s10, $0x1;
	s10 =	sld [smem:$0x3FBA];
	_ =	sdelay $0x3  }
0x37: {  	[smem:$0x3FBA] =	sst s10  }
0x38: {  	s10 =	sld [smem:$0x3FBB]  }
0x39: {  	_ = 	snop;
	(pc) =	sbr.ind lr, $3  }
0x3a: {  	_ = 	snop  }
0x3b: {  	_ = 	snop  }
0x3c: {  	p2 =	seq.s32 s10, $0x1;
	s10 =	sld [smem:$0x3FBA]  }
0x3d: {  	_ =	shalt  }
0x3e: {  	_ =	shalt  }
0x3f: {  	_ =	shalt  }
0x40: {  	_ =	shalt  }
0x41: {  	_ =	shalt  }
0x42: {  	_ =	shalt  }
0x43: {  	_ =	shalt  }
0x44: {  	_ =	shalt  }
0x45: {  	_ =	shalt  }
0x46: {  	_ =	shalt  }
0x47: {  	_ =	shalt  }
0x48: {  	_ =	shalt  }
0x49: {  	_ =	shalt  }
0x4a: {  	_ =	shalt  }
0x4b: {  	_ =	shalt  }
0x4c: {  	_ =	shalt  }
0x4d: {  	_ =	shalt  }
0x4e: {  	_ =	shalt  }
0x4f: {  	_ =	shalt  }
0x50: {  	_ =	shalt  }
0x51: {  	_ =	shalt  }
0x52: {  	_ =	shalt  }
0x53: {  	_ =	shalt  }
0x54: {  	_ =	shalt  }
0x55: {  	_ =	shalt  }
0x56: {  	_ =	shalt  }
0x57: {  	_ =	shalt  }
0x58: {  	_ =	shalt  }
0x59: {  	_ =	shalt  }
0x5a: {  	_ =	shalt  }
0x5b: {  	_ =	shalt  }
0x5c: {  	_ =	shalt  }
0x5d: {  	_ =	shalt  }
0x5e: {  	_ =	shalt  }
0x5f: {  	_ =	shalt  }
0x60: {  	_ =	shalt  }
0x61: {  	_ =	shalt  }
0x62: {  	_ =	shalt  }
0x63: {  	_ =	shalt  }
0x64: {  	_ =	shalt  }
0x65: {  	_ =	shalt  }
0x66: {  	_ =	shalt  }
0x67: {  	_ =	shalt  }
0x68: {  	_ =	shalt  }
0x69: {  	_ =	shalt  }
0x6a: {  	_ =	shalt  }
0x6b: {  	_ =	shalt  }
0x6c: {  	_ =	shalt  }
0x6d: {  	_ =	shalt  }
0x6e: {  	_ =	shalt  }
0x6f: {  	_ =	shalt  }
0x70: {  	_ =	shalt  }
0x71: {  	_ =	shalt  }
0x72: {  	_ =	shalt  }
0x73: {  	_ =	shalt  }
0x74: {  	_ =	shalt  }
0x75: {  	_ =	shalt  }
0x76: {  	_ =	shalt  }
0x77: {  	_ =	shalt  }
0x78: {  	_ =	shalt  }
0x79: {  	_ =	shalt  }
0x7a: {  	_ =	shalt  }
0x7b: {  	_ =	shalt  }
0x7c: {  	_ =	shalt  }
0x7d: {  	_ =	shalt  }
0x7e: {  	_ =	shalt  }
0x7f: {  	_ =	shalt  }
0x80: {  	_ =	shalt  }
0x81: {  	_ =	shalt  }
0x82: {  	_ =	shalt  }
0x83: {  	_ =	shalt  }
0x84: {  	_ =	shalt  }
0x85: {  	_ =	shalt  }
0x86: {  	_ =	shalt  }
0x87: {  	_ =	shalt  }
.Lfunc_end0:
.L_simem_size_0:
called_computation_lowered:
.L_overlay_start_0:
0x88: {  	s2 =	sld [smem:$0x3FD9]  }
0x89: {  	s3 =	sld [smem:$0x3FFE];
	_ =	sdelay $0x1  }
0x8a: {  	s1 =	srdreg.scid  }
0x8b: {  	s0 =	sand.u32 $0x1, s1  }
0x8c: {  	s18 =	sshll.u32 s0, $0xA;
	s2 =	sadd.s32 s3, s2  }
0x8d: {  	s2 =	sadd.s32 s2, s18  }
0x8e: {  	[smem:$0x3FC6] =	sst s2  }
0x8f: {  	_ = 	snop  }
0x90: {  	s2 =	sld [smem:$0x3FC9]  }
0x91: {  	s19 =	sld [smem:$0x3FC8]  }
0x92: {  	s4 =	sld [smem:$0x3FD0];
	(tm) =	ssettm $0x1  }
0x93: {  	s5 =	sld [smem:$0x3FFB];
	_ =	sdelay $0x3  }
0x94: {  	_ =	strace s5  }
0x95: {  	s5 =	sld [smem:$0x3FFC];
	_ =	sdelay $0x3  }
0x96: {  	_ =	strace s5  }
0x97: {  	s5 =	sld [smem:$0x3FFD];
	_ =	sdelay $0x3  }
0x98: {  	_ =	strace s5  }
0x99: {  	_ =	strace $0x8FFFFFFF  }
0x9a: {  	s20 =	sld [smem:$0x3FDB];
	_ =	sdelay $0x1  }
0x9b: {  	s6 =	simm.s32 $_scs_section_size  }
0x9c: {  	s7 =	simm.s32 $_size__tile_overlayer_lowered;
	s8 =	simm.s32 $_tile_overlayer_lowered  }
0x9d: {  	s23 =	simm.s32 $0x1BFF;
	s22 =	sshll.u32 s8, $0x1;
	s5 =	sadd.s32 s6, s20  }
0x9e: {  	s9 =	simm.s32 $0x0;
	s21 =	sshll.u32 s7, $0x1;
	s7 =	sadd.s32 s22, s5  }
0x9f: {  	[timem:s9], [sflag:s23] =	dma.local [hbm:s7], s21  }
0xa0: {  	_ =	swait.ge [sflag:s23], s21  }
0xa1: {  	s6 =	ssub.s32 $0x0, s21;
	[sflag:s23] =	ssyncset.done $0x0  }
0xa2: {  	[sflag:s23] =	ssyncadd.s32 s6;
	_ =	sdelay $0x1  }
0xa3: {  	s24 =	simm.s32 $0x1B8B  }
0xa4: {  	_ =	swait.ge [sflag:s24], $0x1  }
0xa5: {  	[sflag:s24] =	ssyncset.done $0x0  }
0xa6: {  	s25 =	simm.s32 $0x1B8E;
	[sflag:s24] =	ssyncadd.s32 $0xFFFFFFFF  }
0xa7: {  	s26 =	simm.s32 $execute0_lowered;
	[smem:$0x3FD2] =	sst s25  }
0xa8: {  	s6 =	sshll.u32 s26, $0x1;
	_ =	strace $0x80000046;
	[dreg:$0x1] =	wrdreg $0xFFFFFFFF  }
0xa9: {  	s28 =	simm.s32 $_size_execute0_lowered;
	s5 =	sadd.s32 s5, s6;
	[dreg:$0x0] =	wrdreg $0x0  }
0xaa: {  	s6 =	sshll.u32 s28, $0x1;
	[dreg:$0x2] =	wrdreg s5  }
0xab: {  	[dreg:$0x3] =	wrdreg s6  }
0xac: {  	[dreg:$0x4] =	wrdreg $0xC0  }
0xad: {  	_ =	task [dreg:s9], $0x5FFFF  }
0xae: {  	[dreg:$0x1] =	wrdreg $0xFFFFFFFF  }
0xaf: {  	[dreg:$0x0] =	wrdreg $0x60  }
0xb0: {  	[dreg:$0x2] =	wrdreg s2  }
0xb1: {  	[dreg:$0x3] =	wrdreg s19  }
0xb2: {  	[dreg:$0x4] =	wrdreg s4  }
0xb3: {  	[dreg:$0x5] =	wrdreg $0x9  }
0xb4: {  	_ =	task.clear_ibuf [dreg:s9], $0x6FFFF;
	_ =	strace $0x90000046  }
0xb5: {  	s29 =	simm.s32 $0x9;
	_ =	strace $0x80000051  }
0xb6: {  	_ =	swait.ge [sflag:s29], $0x1  }
0xb7: {  	[sflag:s29] =	ssyncadd.s32 $0xFFFFFFFF  }
0xb8: {  	_ =	strace $0x90000051  }
0xb9: {  	_ =	sfence  }
0xba: {  	s30 =	sld [smem:$0x0];
	_ =	sdelay $0x2  }
0xbb: {  	s31 =	sshll.u32 s1, $0xD;
	s1 =	sshrl.u32 s1, $0x2  }
0xbc: {  	s3 =	sand.u32 $0x4000, s31;
	s1 =	sadd.s32 s1, s30  }
0xbd: {  	s0 =	sor.u32 s3, s0;
	s1 =	sshll.u32 s1, $0x11  }
0xbe: {  	s0 =	sor.u32 s1, s0  }
0xbf: {  	s0 =	sadd.s32 $0x8F2B, s0  }
0xc0: {  	[sflag:s0] =	ssyncadd.remote.s32 $0x1  }
0xc1: {  	_ =	sfence.sel $0xFFFF  }
0xc2: {  	[dreg:$0x0] =	wrdreg $0xFFFFFFFF;
	(pc) =	sbr.abs _section_cstart, $3  }
0xc3: {  	[dreg:$0x1] =	wrdreg $0xFFFFFFFF  }
0xc4: {  	_ =	task.clear_ibuf [dreg:s9], $0x2FFFF;
	_ =	strace $0x9FFFFFFF  }
0xc5: {  	(tm) =	ssettm $0x7FFFFFFF  }
tec
execute0_lowered:
.L_overlay_start_1:
0x0: {  	(tag) =	ssettag $0x1  }
0x1: {  	s0 =	srdreg.scid  }
0x2: {  	s1 =	rddreg [dreg:$0x0];
	s0 =	sand.u32 $0x1, s0  }
0x3: {  	s2 =	rddreg [dreg:$0x1];
	s5 =	stileid.u32;
	s4 =	sshll.u32 s0, $0x4  }
0x4: {  	s3 =	rddreg [dreg:$0x2];
	s0 =	ssub.s32 $0x2, s0;
	s4 =	sor.u32 s5, s4  }
0x5: {  	s6 =	simm.s32 $0x0;
	s28 =	sshrl.u32 s0, $0x1;
	s7 =	sshll.u32 s4, $0x8  }
0x6: {  	[smem:$0x7FF] =	sst s6;
	s0 =	ssub.s32 s0, s28;
	s30 =	sadd.s32 s2, s7  }
0x7: {  	v0 =	vlaneseq.u32;
	_ =	strace $0x80000047;
	s0 =	smax.u32 s0, $0x1;
	[dreg:$0x5] =	wrdreg s30  }
0x8: {  	v1 =	vor.u32 $0x10, v0;
	s29 =	sadd.s32 s1, s7;
	[dreg:$0x6] =	wrdreg s0  }
0x9: {  	s15 =	simm.s32 $0x6;
	v2 =	vor.u32 $0x20, v0;
	v3 =	vor.u32 $0x30, v0;
	v4 =	vor.u32 $0x40, v0;
	[dreg:$0x4] =	wrdreg s29;
	s31 =	sadd.s32 $0x100000, s29  }
0xa: {  	s16 =	simm.s32 $0x0;
	v5 =	vor.u32 $0x50, v0;
	v6 =	vor.u32 $0x60, v0;
	v7 =	vor.u32 $0x70, v0;
	s6 =	sshll.u32 s4, $0x1;
	[dreg:$0x7] =	wrdreg s31  }
.LBB2_1:
0xb: {  	_ =	strace $0x80000048;
	s0 =	simm.s32 $0x0  }
0xc: {  	s5 =	simm.s32 $0x400;
	s7 =	simm.s32 $0x10000;
	s26 =	simm.s32 $0x2000  }
0xd: {  	s31 =	simm.s32 $0x8000;
	s28 =	simm.s32 $0x0;
	s29 =	simm.s32 $0x0  }
0xe: {  	s17 =	simm.s32 $0x0;
	s18 =	simm.s32 $0x0;
	s4 =	rddreg [dreg:$0x4]  }
0xf: {  	[tilespmem:s0], [sflag:$0x1] =	stream.strided.gather [hbm4b:s4+s5], $0x2000, s7, s5, $0x200038;
	[tilespmem:$0x14000] =	vst v63  }
0x10: {  	s19 =	simm.s32 $0x0;
	s20 =	simm.s32 $0x1;
	s25 =	rddreg [dreg:$0x7]  }
0x11: {  	[tilespmem:s26], [sflag:$0x1] =	stream.strided.gather [hbm4b:s25+s5], $0x2000, s7, s5, $0x200038;
	[tilespmem:$0x14000] =	vst v63  }
0x12: {  	s21 =	simm.s32 $0x0;
	s22 =	simm.s32 $0x1;
	s30 =	rddreg [dreg:$0x5]  }
0x13: {  	[tilespmem:s31], [sflag:$0x3] =	stream.strided.gather [hbm4b:s30+s5], $0x2000, s7, s5, $0x200038;
	[tilespmem:$0x14000] =	vst v63  }
0x14: {  	s23 =	simm.s32 $0x0;
	s7 =	simm.s32 $0x0;
	_ =	strace $0x90000048  }
.LBB2_2:
0x15: {  	s24 =	sadd.s32 $0x1, s28  }
0x16: {  	s0 =	simm.s32 $0x1;
	p0 =	seq.s32 s24, $0x2  }
0x17: {  	s0 =	simm.s32 @!p0 $0x0  }
0x18: {  	s25 =	sadd.s32 s0, s7  }
0x19: {  	s0 =	simm.s32 $0x1;
	p1 =	seq.s32 s25, $0x2  }
0x1a: {  	s0 =	simm.s32 @!p1 $0x0  }
0x1b: {  	s26 =	sadd.s32 s0, s29  }
0x1c: {  	p2 =	seq.s32 s26, $0x10  }
0x1d: {  	s24 =	simm.s32 @p0 $0x0;
	s26 =	simm.s32 @p2 $0x0  }
0x1e: {  	p3 =	sne.s32 s28, s24;
	s25 =	simm.s32 @p1 $0x0;
	p0 =	sne.s32 s29, s26  }
0x1f: {  	p6 =	sne.s32 s23, $0x3F;
	p4 =	sne.s32 s7, s25;
	p1 =	por p3, p0  }
0x20: {  	s8 =	simm.s32 $0x1;
	p2 =	seq.s32 s28, $0x0;
	p1 =	por p4, p1  }
0x21: {  	s8 =	simm.s32 @!p2 $0x0;
	p0 =	por p4, p0;
	s0 =	simm.s32 @!p1 $0x0  }
0x22: {  	p4 =	por !p6, !p0;
	p5 =	por !p6, !p1;
	s0 =	simm.s32 @p1 $0x1  }
0x23: {  	p3 =	por !p5, !p5;
	[smem:$0x7FC] =	sst s0;
	s0 =	sadd.s32 s6, s25  }
0x24: {  	p4 =	por !p4, !p4;
	s4 =	sshll.u32 @p3 s24, $0x18;
	s5 =	sshll.u32 @p3 s0, $0xA  }
0x25: {  	p6 =	sne.s32 s7, $0x1;
	s9 =	sshll.u32 @p3 s26, $0x13;
	s4 =	sadd.s32 @p3 s4, s5  }
0x26: {  	s10 =	simm.s32 @p3 $0x400;
	s11 =	simm.s32 @p3 $0x10000;
	s4 =	sadd.s32 @p3 s9, s4  }
0x27: {  	_ =	strace @p3 $0x80000049;
	s5 =	sand.u32 @p3 $0x1, s22;
	s4 =	sshrl.u32 @p3 s4, $0x3  }
0x28: {  	s9 =	sadd.s32 @p3 $0x1, s5;
	s5 =	sshll.u32 @p3 s5, $0xE;
	s4 =	sadd.s32 @p3 s1, s4  }
0x29: {  	[tilespmem:s5], [sflag:s9] =	stream.strided.gather @p3 [hbm4b:s4+s10], $0x2000, s11, s10, $0x200038;
	[tilespmem:$0x14000] =	vst v63  }
0x2a: {  	p1 =	sne.s32 s29, $0xF;
	s4 =	sadd.s32 @p3 $0x100000, s4;
	s5 =	sor.u32 @p3 $0x2000, s5  }
0x2b: {  	[tilespmem:s5], [sflag:s9] =	stream.strided.gather @p3 [hbm4b:s4+s10], $0x2000, s11, s10, $0x200038;
	[tilespmem:$0x14000] =	vst v63  }
0x2c: {  	s0 =	sshll.u32 @p4 s0, $0xA;
	s9 =	ssub.s32 s7, s8;
	s5 =	simm.s32 @!p0 $0x0  }
0x2d: {  	s8 =	sand.u32 @p4 $0x1, s20;
	s10 =	simm.s32 @p4 $0x10000;
	s5 =	simm.s32 @p0 $0x1  }
0x2e: {  	p5 =	seq.s32 s9, $0xFFFFFFFF;
	[smem:$0x7FD] =	sst s5;
	s5 =	sshll.u32 @p4 s26, $0x13  }
0x2f: {  	s9 =	simm.s32 @p4 $0x400;
	_ =	strace @p3 $0x90000049;
	s0 =	sadd.s32 @p4 s0, s5  }
0x30: {  	s5 =	sshll.u32 @p4 s8, $0xD;
	s8 =	sadd.s32 @p4 $0x3, s8;
	s0 =	sshrl.u32 @p4 s0, $0x3  }
0x31: {  	_ =	strace @p4 $0x8000004A;
	s5 =	sor.u32 @p4 $0x8000, s5;
	s0 =	sadd.s32 @p4 s2, s0  }
0x32: {  	[tilespmem:s5], [sflag:s8] =	stream.strided.gather @p4 [hbm4b:s0+s9], $0x2000, s10, s9, $0x200038;
	[tilespmem:$0x14000] =	vst v63  }
0x33: {  	s4 =	simm.s32 $0x1;
	s11 =	sand.u32 $0x1, s21;
	_ =	strace @p4 $0x9000004A  }
0x34: {  	s12 =	sadd.s32 $0x1, s11;
	s4 =	simm.s32 @!p5 $0x0;
	_ =	strace $0x8000004B  }
0x35: {  	p6 =	por @!p5 p2, p2;
	s10 =	ssub.s32 s29, s4;
	_ =	swait.ge [sflag:s12], $0x4000  }
0x36: {  	p2 =	seq.s32 s23, $0x0;
	p0 =	seq.s32 s10, $0xFFFFFFFF;
	[sflag:s12] =	ssyncset.done $0x0  }
0x37: {  	p6 =	por p2, p6;
	p1 =	por @!p0 p5, p5;
	[sflag:s12] =	ssyncadd.s32 $0xFFFFC000  }
0x38: {  	s0 =	sand.u32 $0x1, s19;
	p0 =	por p6, p1;
	_ =	strace $0x9000004B  }
0x39: {  	s4 =	sadd.s32 @p0 $0x3, s0;
	_ =	strace @p0 $0x8000004C  }
0x3a: {  	_ =	swait.ge @p0 [sflag:s4], $0x2000  }
0x3b: {  	[sflag:s4] =	ssyncset.done @p0 $0x0  }
0x3c: {  	[sflag:s4] =	ssyncadd.s32 @p0 $0xFFFFE000  }
0x3d: {  	s0 =	sshll.u32 s0, $0xD;
	_ =	strace @p0 $0x9000004C  }
0x3e: {  	s14 =	sor.u32 $0x8100, s0;
	_ =	strace $0x8000004D  }
0x3f: {  	v8 =	vld [tilespmem:s14+$0x80]  }
0x40: {  	v9 =	vld [tilespmem:s14+$0xFFFFFF80];
	_ =	sdelay $0x3  }
0x41: {  	v11 =	vld [tilespmem:s14+$0xFFFFFF00];
	v8 =	vshll.u32 v8, $0x7  }
0x42: {  	v9 =	vshll.u32 v9, $0x7;
	v8 =	vor.u32 v0, v8  }
0x43: {  	v9 =	vor.u32 v0, v9;
	_ =	sdelay $0x1  }
0x44: {  	s13 =	sshll.u32 s21, $0xE;
	v10 =	vld [tilespmem:s14+$0x0]  }
0x45: {  	s13 =	sand.u32 $0x4000, s13;
	v11 =	vshll.u32 v11, $0x7  }
0x46: {  	v11 =	vor.u32 v0, v11;
	v12 =	vld.idx.msk [tilespmem:v8+s13+$0x0], $0xffff  }
0x47: {  	v13 =	vld.idx.msk [tilespmem:v9+s13+$0x0], $0xffff  }
0x48: {  	s31 =	sand.u32 $0x1, s18  }
0x49: {  	s30 =	sshll.u32 s31, $0xE;
	v10 =	vshll.u32 v10, $0x7  }
0x4a: {  	s0 =	sadd.s32 $0xE000, s30;
	v10 =	vor.u32 v0, v10  }
0x4b: {  	s4 =	sor.u32 $0x2000, s13;
	[tilespmem:s0+$0xFFFFE180] =	vst v12;
	v12 =	vld.idx.msk [tilespmem:v11+s13+$0x0], $0xffff  }
0x4c: {  	[tilespmem:s0+$0xFFFFE080] =	vst v13;
	v8 =	vld.idx.msk [tilespmem:v8+s4+$0x0], $0xffff  }
0x4d: {  	v9 =	vld.idx.msk [tilespmem:v9+s4+$0x0], $0xffff;
	_ =	sdelay $0x1  }
0x4e: {  	v14 =	vld.idx.msk [tilespmem:v10+s13+$0x0], $0xffff  }
0x4f: {  	[tilespmem:s0+$0xFFFFE000] =	vst v12  }
0x50: {  	[tilespmem:s0+$0x180] =	vst v8;
	v11 =	vld.idx.msk [tilespmem:v11+s4+$0x0], $0xffff  }
0x51: {  	[tilespmem:s0+$0x80] =	vst v9;
	v8 =	vld [tilespmem:s14+$0x90]  }
0x52: {  	v9 =	vld [tilespmem:s14+$0xFFFFFF90]  }
0x53: {  	[tilespmem:s0+$0xFFFFE100] =	vst v14  }
0x54: {  	v10 =	vld.idx.msk [tilespmem:v10+s4+$0x0], $0xffff  }
0x55: {  	[tilespmem:s0+$0x0] =	vst v11  }
0x56: {  	v8 =	vshll.u32 v8, $0x7;
	v11 =	vld [tilespmem:s14+$0xFFFFFF10]  }
0x57: {  	v9 =	vshll.u32 v9, $0x7;
	v8 =	vor.u32 v1, v8  }
0x58: {  	v9 =	vor.u32 v1, v9  }
0x59: {  	[tilespmem:s0+$0x100] =	vst v10  }
0x5a: {  	v10 =	vld [tilespmem:s14+$0x10]  }
0x5b: {  	v11 =	vshll.u32 v11, $0x7  }
0x5c: {  	v12 =	vld.idx.msk [tilespmem:v8+s13+$0x0], $0xffff;
	v11 =	vor.u32 v1, v11  }
0x5d: {  	v13 =	vld.idx.msk [tilespmem:v9+s13+$0x0], $0xffff;
	_ =	sdelay $0x1  }
0x5e: {  	v10 =	vshll.u32 v10, $0x7  }
0x5f: {  	v10 =	vor.u32 v1, v10  }
0x60: {  	[tilespmem:s0+$0xFFFFE190] =	vst v12;
	v12 =	vld.idx.msk [tilespmem:v11+s13+$0x0], $0xffff  }
0x61: {  	[tilespmem:s0+$0xFFFFE090] =	vst v13;
	v8 =	vld.idx.msk [tilespmem:v8+s4+$0x0], $0xffff  }
0x62: {  	v9 =	vld.idx.msk [tilespmem:v9+s4+$0x0], $0xffff;
	_ =	sdelay $0x1  }
0x63: {  	v14 =	vld.idx.msk [tilespmem:v10+s13+$0x0], $0xffff  }
0x64: {  	[tilespmem:s0+$0xFFFFE010] =	vst v12  }
0x65: {  	[tilespmem:s0+$0x190] =	vst v8;
	v11 =	vld.idx.msk [tilespmem:v11+s4+$0x0], $0xffff  }
0x66: {  	[tilespmem:s0+$0x90] =	vst v9;
	v8 =	vld [tilespmem:s14+$0xA0]  }
0x67: {  	v9 =	vld [tilespmem:s14+$0xFFFFFFA0]  }
0x68: {  	[tilespmem:s0+$0xFFFFE110] =	vst v14  }
0x69: {  	v10 =	vld.idx.msk [tilespmem:v10+s4+$0x0], $0xffff  }
0x6a: {  	[tilespmem:s0+$0x10] =	vst v11  }
0x6b: {  	v8 =	vshll.u32 v8, $0x7;
	v11 =	vld [tilespmem:s14+$0xFFFFFF20]  }
0x6c: {  	v9 =	vshll.u32 v9, $0x7;
	v8 =	vor.u32 v2, v8  }
0x6d: {  	v9 =	vor.u32 v2, v9  }
0x6e: {  	[tilespmem:s0+$0x110] =	vst v10  }
0x6f: {  	v10 =	vld [tilespmem:s14+$0x20]  }
0x70: {  	v11 =	vshll.u32 v11, $0x7  }
0x71: {  	v12 =	vld.idx.msk [tilespmem:v8+s13+$0x0], $0xffff;
	v11 =	vor.u32 v2, v11  }
0x72: {  	v13 =	vld.idx.msk [tilespmem:v9+s13+$0x0], $0xffff;
	_ =	sdelay $0x1  }
0x73: {  	v10 =	vshll.u32 v10, $0x7  }
0x74: {  	v10 =	vor.u32 v2, v10  }
0x75: {  	[tilespmem:s0+$0xFFFFE1A0] =	vst v12;
	v12 =	vld.idx.msk [tilespmem:v11+s13+$0x0], $0xffff  }
0x76: {  	[tilespmem:s0+$0xFFFFE0A0] =	vst v13;
	v8 =	vld.idx.msk [tilespmem:v8+s4+$0x0], $0xffff  }
0x77: {  	v9 =	vld.idx.msk [tilespmem:v9+s4+$0x0], $0xffff;
	_ =	sdelay $0x1  }
0x78: {  	v14 =	vld.idx.msk [tilespmem:v10+s13+$0x0], $0xffff  }
0x79: {  	[tilespmem:s0+$0xFFFFE020] =	vst v12  }
0x7a: {  	[tilespmem:s0+$0x1A0] =	vst v8;
	v11 =	vld.idx.msk [tilespmem:v11+s4+$0x0], $0xffff  }
0x7b: {  	[tilespmem:s0+$0xA0] =	vst v9;
	v8 =	vld [tilespmem:s14+$0xB0]  }
0x7c: {  	v9 =	vld [tilespmem:s14+$0xFFFFFFB0]  }
0x7d: {  	[tilespmem:s0+$0xFFFFE120] =	vst v14  }
0x7e: {  	v10 =	vld.idx.msk [tilespmem:v10+s4+$0x0], $0xffff  }
0x7f: {  	[tilespmem:s0+$0x20] =	vst v11  }
0x80: {  	v8 =	vshll.u32 v8, $0x7;
	v11 =	vld [tilespmem:s14+$0xFFFFFF30]  }
0x81: {  	v9 =	vshll.u32 v9, $0x7;
	v8 =	vor.u32 v3, v8  }
0x82: {  	v9 =	vor.u32 v3, v9  }
0x83: {  	[tilespmem:s0+$0x120] =	vst v10  }
0x84: {  	v10 =	vld [tilespmem:s14+$0x30]  }
0x85: {  	v11 =	vshll.u32 v11, $0x7  }
0x86: {  	v12 =	vld.idx.msk [tilespmem:v8+s13+$0x0], $0xffff;
	v11 =	vor.u32 v3, v11  }
0x87: {  	v13 =	vld.idx.msk [tilespmem:v9+s13+$0x0], $0xffff  }
0x88: {  	s5 =	sadd.s32 $0x200, s14  }
0x89: {  	v15 =	vld [tilespmem:s5+$0xFFFFFF80];
	v10 =	vshll.u32 v10, $0x7  }
0x8a: {  	v16 =	vld [tilespmem:s5+$0x0];
	v10 =	vor.u32 v3, v10  }
0x8b: {  	[tilespmem:s0+$0xFFFFE1B0] =	vst v12;
	v12 =	vld.idx.msk [tilespmem:v11+s13+$0x0], $0xffff  }
0x8c: {  	[tilespmem:s0+$0xFFFFE0B0] =	vst v13;
	v13 =	vld [tilespmem:s5+$0x80]  }
0x8d: {  	v8 =	vld.idx.msk [tilespmem:v8+s4+$0x0], $0xffff  }
0x8e: {  	v17 =	vld [tilespmem:s5+$0xFFFFFF00]  }
0x8f: {  	v14 =	vld.idx.msk [tilespmem:v10+s13+$0x0], $0xffff  }
0x90: {  	v15 =	vshll.u32 v15, $0x7;
	v9 =	vld.idx.msk [tilespmem:v9+s4+$0x0], $0xffff  }
0x91: {  	[tilespmem:s0+$0xFFFFE030] =	vst v12;
	v12 =	vor.u32 v0, v15  }
0x92: {  	v13 =	vshll.u32 v13, $0x7;
	[tilespmem:s0+$0x1B0] =	vst v8  }
0x93: {  	v13 =	vor.u32 v0, v13;
	v8 =	vld [tilespmem:s14+$0xC0]  }
0x94: {  	[tilespmem:s0+$0xFFFFE130] =	vst v14;
	v15 =	vshll.u32 v16, $0x7;
	v11 =	vld.idx.msk [tilespmem:v11+s4+$0x0], $0xffff  }
0x95: {  	v14 =	vor.u32 v0, v15;
	[tilespmem:s0+$0xB0] =	vst v9;
	v9 =	vld.idx.msk [tilespmem:v10+s4+$0x0], $0xffff;
	v10 =	vshll.u32 v17, $0x7  }
0x96: {  	v10 =	vor.u32 v0, v10;
	v17 =	vld.idx.msk [tilespmem:v12+s13+$0x0], $0xffff;
	_ =	sdelay $0x1  }
0x97: {  	v16 =	vld.idx.msk [tilespmem:v13+s13+$0x0], $0xffff;
	v8 =	vshll.u32 v8, $0x7  }
0x98: {  	v15 =	vld [tilespmem:s14+$0xFFFFFFC0];
	v8 =	vor.u32 v4, v8  }
0x99: {  	s8 =	sadd.s32 $0x200, s0;
	v18 =	vld.idx.msk [tilespmem:v14+s13+$0x0], $0xffff;
	[tilespmem:s0+$0x30] =	vst v11  }
0x9a: {  	v11 =	vld.idx.msk [tilespmem:v10+s13+$0x0], $0xffff;
	[tilespmem:s8+$0xFFFFE080] =	vst v17  }
0x9b: {  	v12 =	vld.idx.msk [tilespmem:v12+s4+$0x0], $0xffff  }
0x9c: {  	[tilespmem:s8+$0xFFFFE180] =	vst v16;
	v16 =	vld [tilespmem:s14+$0xFFFFFF40]  }
0x9d: {  	v19 =	vld.idx.msk [tilespmem:v8+s13+$0x0], $0xffff  }
0x9e: {  	[tilespmem:s0+$0x130] =	vst v9;
	v15 =	vshll.u32 v15, $0x7;
	v9 =	vld.idx.msk [tilespmem:v13+s4+$0x0], $0xffff  }
0x9f: {  	[tilespmem:s8+$0xFFFFE100] =	vst v18;
	v13 =	vor.u32 v4, v15;
	v15 =	vld [tilespmem:s14+$0x40]  }
0xa0: {  	v14 =	vld.idx.msk [tilespmem:v14+s4+$0x0], $0xffff;
	[tilespmem:s8+$0x80] =	vst v12  }
0xa1: {  	[tilespmem:s8+$0xFFFFE000] =	vst v11;
	v12 =	vld [tilespmem:s5+$0xFFFFFF90]  }
0xa2: {  	v10 =	vld.idx.msk [tilespmem:v10+s4+$0x0], $0xffff;
	[tilespmem:s0+$0xFFFFE1C0] =	vst v19  }
0xa3: {  	[tilespmem:s8+$0x180] =	vst v9;
	v8 =	vld.idx.msk [tilespmem:v8+s4+$0x0], $0xffff  }
0xa4: {  	v11 =	vld [tilespmem:s5+$0x90]  }
0xa5: {  	[tilespmem:s8+$0x100] =	vst v14  }
0xa6: {  	v14 =	vshll.u32 v16, $0x7;
	v16 =	vld [tilespmem:s5+$0x10];
	v12 =	vshll.u32 v12, $0x7  }
0xa7: {  	v9 =	vld.idx.msk [tilespmem:v13+s13+$0x0], $0xffff;
	[tilespmem:s8+$0x0] =	vst v10;
	v12 =	vor.u32 v1, v12  }
0xa8: {  	[tilespmem:s0+$0x1C0] =	vst v8;
	v8 =	vor.u32 v4, v14;
	v14 =	vshll.u32 v15, $0x7;
	v15 =	vld [tilespmem:s5+$0xFFFFFF10]  }
0xa9: {  	v11 =	vshll.u32 v11, $0x7  }
0xaa: {  	v11 =	vor.u32 v1, v11  }
0xab: {  	v16 =	vshll.u32 v16, $0x7;
	v10 =	vld [tilespmem:s14+$0xD0];
	v14 =	vor.u32 v4, v14  }
0xac: {  	[tilespmem:s0+$0xFFFFE0C0] =	vst v9;
	v16 =	vor.u32 v1, v16;
	v19 =	vld.idx.msk [tilespmem:v12+s13+$0x0], $0xffff  }
0xad: {  	v13 =	vld.idx.msk [tilespmem:v13+s4+$0x0], $0xffff;
	v15 =	vshll.u32 v15, $0x7  }
0xae: {  	v17 =	vld.idx.msk [tilespmem:v8+s13+$0x0], $0xffff;
	v15 =	vor.u32 v1, v15  }
0xaf: {  	v18 =	vld.idx.msk [tilespmem:v11+s13+$0x0], $0xffff  }
0xb0: {  	v10 =	vshll.u32 v10, $0x7;
	v9 =	vld.idx.msk [tilespmem:v14+s13+$0x0], $0xffff  }
0xb1: {  	v20 =	vld.idx.msk [tilespmem:v16+s13+$0x0], $0xffff;
	v10 =	vor.u32 v5, v10;
	[tilespmem:s8+$0xFFFFE090] =	vst v19  }
0xb2: {  	v12 =	vld.idx.msk [tilespmem:v12+s4+$0x0], $0xffff  }
0xb3: {  	[tilespmem:s0+$0xFFFFE040] =	vst v17;
	v17 =	vld.idx.msk [tilespmem:v15+s13+$0x0], $0xffff  }
0xb4: {  	[tilespmem:s8+$0xFFFFE190] =	vst v18;
	v8 =	vld.idx.msk [tilespmem:v8+s4+$0x0], $0xffff  }
0xb5: {  	[tilespmem:s0+$0xFFFFE140] =	vst v9;
	v9 =	vld.idx.msk [tilespmem:v11+s4+$0x0], $0xffff  }
0xb6: {  	[tilespmem:s0+$0xC0] =	vst v13;
	v21 =	vld.idx.msk [tilespmem:v10+s13+$0x0], $0xffff  }
0xb7: {  	[tilespmem:s8+$0xFFFFE110] =	vst v20;
	v11 =	vld.idx.msk [tilespmem:v14+s4+$0x0], $0xffff  }
0xb8: {  	v14 =	vld.idx.msk [tilespmem:v16+s4+$0x0], $0xffff;
	[tilespmem:s8+$0x90] =	vst v12  }
0xb9: {  	[tilespmem:s8+$0xFFFFE010] =	vst v17;
	v13 =	vld [tilespmem:s5+$0xFFFFFFA0]  }
0xba: {  	[tilespmem:s8+$0x190] =	vst v9;
	v15 =	vld.idx.msk [tilespmem:v15+s4+$0x0], $0xffff  }
0xbb: {  	v9 =	vld [tilespmem:s5+$0xA0]  }
0xbc: {  	v12 =	vld [tilespmem:s14+$0xFFFFFFD0];
	[tilespmem:s0+$0x40] =	vst v8  }
0xbd: {  	[tilespmem:s0+$0xFFFFE1D0] =	vst v21;
	v8 =	vld [tilespmem:s14+$0xFFFFFF50]  }
0xbe: {  	[tilespmem:s8+$0x110] =	vst v14;
	v10 =	vld.idx.msk [tilespmem:v10+s4+$0x0], $0xffff  }
0xbf: {  	[tilespmem:s0+$0x140] =	vst v11;
	v14 =	vld [tilespmem:s5+$0x20];
	v13 =	vshll.u32 v13, $0x7  }
0xc0: {  	[tilespmem:s8+$0x10] =	vst v15;
	v9 =	vshll.u32 v9, $0x7;
	v15 =	vld [tilespmem:s14+$0x50];
	v13 =	vor.u32 v2, v13  }
0xc1: {  	v9 =	vor.u32 v2, v9  }
0xc2: {  	v12 =	vshll.u32 v12, $0x7  }
0xc3: {  	v12 =	vor.u32 v5, v12;
	v8 =	vshll.u32 v8, $0x7;
	[tilespmem:s0+$0x1D0] =	vst v10;
	v11 =	vld [tilespmem:s5+$0xFFFFFF20]  }
0xc4: {  	v8 =	vor.u32 v5, v8;
	v14 =	vshll.u32 v14, $0x7;
	v10 =	vld [tilespmem:s14+$0xE0]  }
0xc5: {  	v14 =	vor.u32 v2, v14;
	v15 =	vshll.u32 v15, $0x7;
	v19 =	vld.idx.msk [tilespmem:v13+s13+$0x0], $0xffff  }
0xc6: {  	v17 =	vld.idx.msk [tilespmem:v9+s13+$0x0], $0xffff;
	v15 =	vor.u32 v5, v15;
	_ =	sdelay $0x1  }
0xc7: {  	v18 =	vld.idx.msk [tilespmem:v12+s13+$0x0], $0xffff;
	v11 =	vshll.u32 v11, $0x7  }
0xc8: {  	v16 =	vld.idx.msk [tilespmem:v8+s13+$0x0], $0xffff;
	v10 =	vshll.u32 v10, $0x7;
	v11 =	vor.u32 v2, v11  }
0xc9: {  	v20 =	vld.idx.msk [tilespmem:v14+s13+$0x0], $0xffff;
	v10 =	vor.u32 v6, v10;
	[tilespmem:s8+$0xFFFFE0A0] =	vst v19  }
0xca: {  	[tilespmem:s8+$0xFFFFE1A0] =	vst v17;
	v17 =	vld.idx.msk [tilespmem:v15+s13+$0x0], $0xffff  }
0xcb: {  	v13 =	vld.idx.msk [tilespmem:v13+s4+$0x0], $0xffff  }
0xcc: {  	[tilespmem:s0+$0xFFFFE0D0] =	vst v18;
	v9 =	vld.idx.msk [tilespmem:v9+s4+$0x0], $0xffff  }
0xcd: {  	[tilespmem:s0+$0xFFFFE050] =	vst v16;
	v22 =	vld.idx.msk [tilespmem:v11+s13+$0x0], $0xffff  }
0xce: {  	[tilespmem:s8+$0xFFFFE120] =	vst v20;
	v21 =	vld.idx.msk [tilespmem:v10+s13+$0x0], $0xffff  }
0xcf: {  	v8 =	vld.idx.msk [tilespmem:v8+s4+$0x0], $0xffff;
	[tilespmem:s0+$0xFFFFE150] =	vst v17  }
0xd0: {  	v14 =	vld.idx.msk [tilespmem:v14+s4+$0x0], $0xffff;
	[tilespmem:s8+$0xA0] =	vst v13  }
0xd1: {  	[tilespmem:s8+$0x1A0] =	vst v9;
	v9 =	vld.idx.msk [tilespmem:v12+s4+$0x0], $0xffff  }
0xd2: {  	[tilespmem:s8+$0xFFFFE020] =	vst v22;
	v13 =	vld.idx.msk [tilespmem:v15+s4+$0x0], $0xffff  }
0xd3: {  	[tilespmem:s0+$0xFFFFE1E0] =	vst v21;
	v11 =	vld.idx.msk [tilespmem:v11+s4+$0x0], $0xffff  }
0xd4: {  	v10 =	vld.idx.msk [tilespmem:v10+s4+$0x0], $0xffff  }
0xd5: {  	v12 =	vld [tilespmem:s5+$0xB0]  }
0xd6: {  	v15 =	vld [tilespmem:s5+$0xFFFFFFB0];
	[tilespmem:s8+$0x120] =	vst v14  }
0xd7: {  	[tilespmem:s0+$0x50] =	vst v8;
	v14 =	vld [tilespmem:s5+$0x30]  }
0xd8: {  	[tilespmem:s8+$0x20] =	vst v11  }
0xd9: {  	[tilespmem:s0+$0x1E0] =	vst v10;
	v8 =	vld [tilespmem:s5+$0xFFFFFF30]  }
0xda: {  	v11 =	vshll.u32 v12, $0x7;
	v10 =	vld [tilespmem:s14+$0xF0]  }
0xdb: {  	[tilespmem:s0+$0xD0] =	vst v9;
	v9 =	vshll.u32 v15, $0x7;
	v18 =	vor.u32 v3, v11  }
0xdc: {  	v12 =	vld [tilespmem:s14+$0xFFFFFF60];
	v19 =	vor.u32 v3, v9;
	v9 =	vshll.u32 v14, $0x7  }
0xdd: {  	v15 =	vld [tilespmem:s14+$0xFFFFFFE0];
	v14 =	vor.u32 v3, v9  }
0xde: {  	v8 =	vshll.u32 v8, $0x7  }
0xdf: {  	v9 =	vshll.u32 v10, $0x7;
	v16 =	vor.u32 v3, v8  }
0xe0: {  	[tilespmem:s0+$0x150] =	vst v13;
	v13 =	vld.idx.msk [tilespmem:v18+s13+$0x0], $0xffff;
	v9 =	vor.u32 v7, v9  }
0xe1: {  	v20 =	vld [tilespmem:s14+$0x60];
	v8 =	vshll.u32 v12, $0x7  }
0xe2: {  	v63 =	vld.idx.msk [tilespmem:v14+s13+$0x0], $0xffff;
	v11 =	vor.u32 v6, v8;
	v8 =	vshll.u32 v15, $0x7  }
0xe3: {  	v15 =	vld.idx.msk [tilespmem:v19+s13+$0x0], $0xffff;
	v10 =	vor.u32 v6, v8  }
0xe4: {  	v17 =	vld.idx.msk [tilespmem:v16+s13+$0x0], $0xffff  }
0xe5: {  	s9 =	simm.s32 $0x1;
	[tilespmem:s8+$0xFFFFE1B0] =	vst v13;
	v12 =	vld.idx.msk [tilespmem:v9+s13+$0x0], $0xffff  }
0xe6: {  	s10 =	simm.s32 $0x1;
	s9 =	simm.s32 @!p3 $0x0;
	v18 =	vld.idx.msk [tilespmem:v18+s4+$0x0], $0xffff  }
0xe7: {  	s10 =	simm.s32 @!p4 $0x0;
	s22 =	sadd.s32 s9, s22;
	v13 =	vld.idx.msk [tilespmem:v11+s13+$0x0], $0xffff  }
0xe8: {  	s9 =	sadd.s32 $0xC000, s30;
	s20 =	sadd.s32 s10, s20;
	s10 =	simm.s32 $0x4;
	v8 =	vshll.u32 v20, $0x7;
	[tilespmem:s8+$0xFFFFE0B0] =	vst v15;
	v15 =	vld.idx.msk [tilespmem:v10+s13+$0x0], $0xffff  }
0xe9: {  	s12 =	sadd.s32 s6, s7;
	s11 =	sadd.s32 $0x200, s5;
	s7 =	smov.u32 s8;
	v8 =	vor.u32 v6, v8;
	[tilespmem:s8+$0xFFFFE130] =	vst v63;
	v19 =	vld.idx.msk [tilespmem:v19+s4+$0x0], $0xffff  }
.LBB2_3:
0xea: {  	v20 =	vld [tilespmem:s11+$0x80];
	s10 =	sadd.s32 $0x4, s10;
	[tilespmem:s0+$0xFFFFE1F0] =	vst v12  }
0xeb: {  	p3 =	slt.u32 s10, $0x3C;
	[tilespmem:s8+$0xFFFFE030] =	vst v17;
	v9 =	vld.idx.msk [tilespmem:v9+s4+$0x0], $0xffff  }
0xec: {  	v12 =	vld [tilespmem:s11+$0xFFFFFF80];
	[tilespmem:s0+$0xFFFFE060] =	vst v13  }
0xed: {  	v13 =	vld [tilespmem:s11+$0x0];
	[tilespmem:s8+$0x1B0] =	vst v18  }
0xee: {  	v17 =	vld [tilespmem:s5+$0xC0];
	[tilespmem:s0+$0xFFFFE0E0] =	vst v15  }
0xef: {  	v15 =	vld [tilespmem:s11+$0xFFFFFF00];
	v18 =	vshll.u32 v20, $0x7;
	[tilespmem:s8+$0xB0] =	vst v19  }
0xf0: {  	v18 =	vor.u32 v0, v18;
	v16 =	vld.idx.msk [tilespmem:v16+s4+$0x0], $0xffff  }
0xf1: {  	v12 =	vshll.u32 v12, $0x7;
	v14 =	vld.idx.msk [tilespmem:v14+s4+$0x0], $0xffff;
	[tilespmem:s0+$0x1F0] =	vst v9  }
0xf2: {  	v9 =	vor.u32 v0, v12;
	v12 =	vshll.u32 v13, $0x7;
	v13 =	vld [tilespmem:s5+$0xFFFFFFC0]  }
0xf3: {  	v12 =	vor.u32 v0, v12;
	v17 =	vshll.u32 v17, $0x7;
	v19 =	vld.idx.msk [tilespmem:v8+s13+$0x0], $0xffff  }
0xf4: {  	v15 =	vshll.u32 v15, $0x7;
	v17 =	vor.u32 v4, v17;
	v11 =	vld.idx.msk [tilespmem:v11+s4+$0x0], $0xffff  }
0xf5: {  	v15 =	vor.u32 v0, v15;
	v20 =	vld.idx.msk [tilespmem:v18+s13+$0x0], $0xffff  }
0xf6: {  	[tilespmem:s8+$0x30] =	vst v16;
	v10 =	vld.idx.msk [tilespmem:v10+s4+$0x0], $0xffff  }
0xf7: {  	v16 =	vld.idx.msk [tilespmem:v9+s13+$0x0], $0xffff;
	v13 =	vshll.u32 v13, $0x7;
	[tilespmem:s8+$0x130] =	vst v14  }
0xf8: {  	v14 =	vld.idx.msk [tilespmem:v12+s13+$0x0], $0xffff;
	v13 =	vor.u32 v4, v13  }
0xf9: {  	v21 =	vld.idx.msk [tilespmem:v17+s13+$0x0], $0xffff;
	[tilespmem:s0+$0xFFFFE160] =	vst v19  }
0xfa: {  	s8 =	sadd.s32 $0x200, s8;
	v19 =	vld.idx.msk [tilespmem:v15+s13+$0x0], $0xffff;
	[tilespmem:s0+$0x60] =	vst v11  }
0xfb: {  	[tilespmem:s8+$0xFFFFE180] =	vst v20;
	v11 =	vld [tilespmem:s5+$0xFFFFFF40]  }
0xfc: {  	v18 =	vld.idx.msk [tilespmem:v18+s4+$0x0], $0xffff;
	[tilespmem:s0+$0xE0] =	vst v10  }
0xfd: {  	[tilespmem:s8+$0xFFFFE080] =	vst v16;
	v10 =	vld [tilespmem:s5+$0x40]  }
0xfe: {  	v9 =	vld.idx.msk [tilespmem:v9+s4+$0x0], $0xffff;
	[tilespmem:s8+$0xFFFFE100] =	vst v14  }
0xff: {  	v12 =	vld.idx.msk [tilespmem:v12+s4+$0x0], $0xffff;
	[tilespmem:s7+$0xFFFFE1C0] =	vst v21  }
0x100: {  	[tilespmem:s8+$0xFFFFE000] =	vst v19;
	v11 =	vshll.u32 v11, $0x7;
	v14 =	vld.idx.msk [tilespmem:v17+s4+$0x0], $0xffff  }
0x101: {  	v15 =	vld.idx.msk [tilespmem:v15+s4+$0x0], $0xffff;
	v11 =	vor.u32 v4, v11  }
0x102: {  	[tilespmem:s8+$0x180] =	vst v18;
	v16 =	vld.idx.msk [tilespmem:v13+s13+$0x0], $0xffff;
	v10 =	vshll.u32 v10, $0x7  }
0x103: {  	v17 =	vld [tilespmem:s11+$0x90];
	v18 =	vor.u32 v4, v10  }
0x104: {  	[tilespmem:s8+$0x80] =	vst v9;
	v8 =	vld.idx.msk [tilespmem:v8+s4+$0x0], $0xffff  }
0x105: {  	v9 =	vld [tilespmem:s11+$0xFFFFFF90];
	[tilespmem:s8+$0x100] =	vst v12  }
0x106: {  	v10 =	vld [tilespmem:s11+$0x10];
	[tilespmem:s7+$0x1C0] =	vst v14  }
0x107: {  	[tilespmem:s8+$0x0] =	vst v15;
	v12 =	vld [tilespmem:s5+$0xD0]  }
0x108: {  	v14 =	vld [tilespmem:s11+$0xFFFFFF10];
	v15 =	vshll.u32 v17, $0x7;
	[tilespmem:s7+$0xFFFFE0C0] =	vst v16  }
0x109: {  	v15 =	vor.u32 v1, v15;
	v16 =	vld.idx.msk [tilespmem:v11+s13+$0x0], $0xffff  }
0x10a: {  	v9 =	vshll.u32 v9, $0x7;
	v17 =	vld.idx.msk [tilespmem:v18+s13+$0x0], $0xffff;
	[tilespmem:s0+$0x160] =	vst v8  }
0x10b: {  	v19 =	vor.u32 v1, v9;
	v8 =	vshll.u32 v10, $0x7;
	v9 =	vld.idx.msk [tilespmem:v13+s4+$0x0], $0xffff  }
0x10c: {  	v13 =	vor.u32 v1, v8;
	v8 =	vshll.u32 v12, $0x7;
	v10 =	vld [tilespmem:s14+$0xFFFFFF70]  }
0x10d: {  	v12 =	vshll.u32 v14, $0x7;
	v14 =	vor.u32 v5, v8;
	v8 =	vld [tilespmem:s14+$0xFFFFFFF0]  }
0x10e: {  	v12 =	vor.u32 v1, v12;
	v20 =	vld.idx.msk [tilespmem:v15+s13+$0x0], $0xffff  }
0x10f: {  	[tilespmem:s7+$0xFFFFE040] =	vst v16;
	v16 =	vld [tilespmem:s14+$0x70];
	s14 =	smov.u32 s5;
	s5 =	smov.u32 s11  }
0x110: {  	v21 =	vld.idx.msk [tilespmem:v19+s13+$0x0], $0xffff;
	[tilespmem:s7+$0xFFFFE140] =	vst v17  }
0x111: {  	v17 =	vld.idx.msk [tilespmem:v13+s13+$0x0], $0xffff;
	[tilespmem:s7+$0xC0] =	vst v9;
	v9 =	vshll.u32 v10, $0x7  }
0x112: {  	v22 =	vld.idx.msk [tilespmem:v14+s13+$0x0], $0xffff;
	v9 =	vor.u32 v7, v9;
	v8 =	vshll.u32 v8, $0x7  }
0x113: {  	v23 =	vld.idx.msk [tilespmem:v12+s13+$0x0], $0xffff;
	v10 =	vor.u32 v7, v8  }
0x114: {  	[tilespmem:s8+$0xFFFFE190] =	vst v20;
	v11 =	vld.idx.msk [tilespmem:v11+s4+$0x0], $0xffff;
	v8 =	vshll.u32 v16, $0x7  }
0x115: {  	v15 =	vld.idx.msk [tilespmem:v15+s4+$0x0], $0xffff;
	v8 =	vor.u32 v7, v8  }
0x116: {  	[tilespmem:s8+$0xFFFFE090] =	vst v21;
	v16 =	vld.idx.msk [tilespmem:v18+s4+$0x0], $0xffff  }
0x117: {  	v18 =	vld.idx.msk [tilespmem:v19+s4+$0x0], $0xffff;
	[tilespmem:s8+$0xFFFFE110] =	vst v17  }
0x118: {  	v13 =	vld.idx.msk [tilespmem:v13+s4+$0x0], $0xffff;
	[tilespmem:s7+$0xFFFFE1D0] =	vst v22  }
0x119: {  	[tilespmem:s8+$0xFFFFE010] =	vst v23;
	v14 =	vld.idx.msk [tilespmem:v14+s4+$0x0], $0xffff  }
0x11a: {  	v12 =	vld.idx.msk [tilespmem:v12+s4+$0x0], $0xffff;
	[tilespmem:s7+$0x40] =	vst v11  }
0x11b: {  	[tilespmem:s8+$0x190] =	vst v15;
	v11 =	vld [tilespmem:s14+$0xFFFFFF50]  }
0x11c: {  	v15 =	vld [tilespmem:s11+$0xA0];
	[tilespmem:s7+$0x140] =	vst v16  }
0x11d: {  	[tilespmem:s8+$0x90] =	vst v18;
	v16 =	vld [tilespmem:s14+$0xFFFFFFD0]  }
0x11e: {  	v17 =	vld [tilespmem:s11+$0xFFFFFFA0];
	[tilespmem:s8+$0x110] =	vst v13  }
0x11f: {  	v13 =	vld [tilespmem:s11+$0x20];
	[tilespmem:s7+$0x1D0] =	vst v14  }
0x120: {  	[tilespmem:s8+$0x10] =	vst v12;
	v11 =	vshll.u32 v11, $0x7;
	v12 =	vld [tilespmem:s14+$0xE0]  }
0x121: {  	v14 =	vld [tilespmem:s11+$0xFFFFFF20];
	v15 =	vshll.u32 v15, $0x7;
	v11 =	vor.u32 v5, v11  }
0x122: {  	v15 =	vor.u32 v2, v15;
	v16 =	vshll.u32 v16, $0x7;
	v18 =	vld [tilespmem:s14+$0x50]  }
0x123: {  	v17 =	vshll.u32 v17, $0x7;
	v16 =	vor.u32 v5, v16;
	v19 =	vld.idx.msk [tilespmem:v9+s13+$0x0], $0xffff  }
0x124: {  	v17 =	vor.u32 v2, v17;
	v13 =	vshll.u32 v13, $0x7;
	v20 =	vld.idx.msk [tilespmem:v10+s13+$0x0], $0xffff  }
0x125: {  	v13 =	vor.u32 v2, v13;
	v12 =	vshll.u32 v12, $0x7;
	v21 =	vld.idx.msk [tilespmem:v8+s13+$0x0], $0xffff  }
0x126: {  	v14 =	vshll.u32 v14, $0x7;
	v22 =	vld.idx.msk [tilespmem:v11+s13+$0x0], $0xffff;
	v12 =	vor.u32 v6, v12  }
0x127: {  	v14 =	vor.u32 v2, v14;
	v23 =	vld.idx.msk [tilespmem:v15+s13+$0x0], $0xffff;
	v18 =	vshll.u32 v18, $0x7  }
0x128: {  	v24 =	vld.idx.msk [tilespmem:v16+s13+$0x0], $0xffff;
	v18 =	vor.u32 v5, v18  }
0x129: {  	v25 =	vld.idx.msk [tilespmem:v17+s13+$0x0], $0xffff;
	[tilespmem:s0+$0xFFFFE070] =	vst v19  }
0x12a: {  	v19 =	vld.idx.msk [tilespmem:v13+s13+$0x0], $0xffff;
	[tilespmem:s0+$0xFFFFE0F0] =	vst v20  }
0x12b: {  	v20 =	vld.idx.msk [tilespmem:v12+s13+$0x0], $0xffff;
	[tilespmem:s0+$0xFFFFE170] =	vst v21  }
0x12c: {  	v21 =	vld.idx.msk [tilespmem:v14+s13+$0x0], $0xffff;
	[tilespmem:s7+$0xFFFFE050] =	vst v22  }
0x12d: {  	[tilespmem:s8+$0xFFFFE1A0] =	vst v23;
	v22 =	vld.idx.msk [tilespmem:v18+s13+$0x0], $0xffff  }
0x12e: {  	v15 =	vld.idx.msk [tilespmem:v15+s4+$0x0], $0xffff;
	[tilespmem:s7+$0xFFFFE0D0] =	vst v24  }
0x12f: {  	[tilespmem:s8+$0xFFFFE0A0] =	vst v25;
	v11 =	vld.idx.msk [tilespmem:v11+s4+$0x0], $0xffff  }
0x130: {  	v17 =	vld.idx.msk [tilespmem:v17+s4+$0x0], $0xffff;
	[tilespmem:s8+$0xFFFFE120] =	vst v19  }
0x131: {  	v13 =	vld.idx.msk [tilespmem:v13+s4+$0x0], $0xffff;
	[tilespmem:s7+$0xFFFFE1E0] =	vst v20  }
0x132: {  	[tilespmem:s8+$0xFFFFE020] =	vst v21;
	v12 =	vld.idx.msk [tilespmem:v12+s4+$0x0], $0xffff  }
0x133: {  	v14 =	vld.idx.msk [tilespmem:v14+s4+$0x0], $0xffff;
	[tilespmem:s7+$0xFFFFE150] =	vst v22  }
0x134: {  	[tilespmem:s8+$0x1A0] =	vst v15;
	v15 =	vld.idx.msk [tilespmem:v16+s4+$0x0], $0xffff  }
0x135: {  	v16 =	vld [tilespmem:s11+$0xB0];
	[tilespmem:s7+$0x50] =	vst v11  }
0x136: {  	[tilespmem:s8+$0xA0] =	vst v17;
	v11 =	vld.idx.msk [tilespmem:v18+s4+$0x0], $0xffff  }
0x137: {  	v17 =	vld [tilespmem:s11+$0xFFFFFFB0];
	[tilespmem:s8+$0x120] =	vst v13  }
0x138: {  	v13 =	vld [tilespmem:s11+$0x30];
	[tilespmem:s7+$0x1E0] =	vst v12  }
0x139: {  	[tilespmem:s8+$0x20] =	vst v14;
	v12 =	vld [tilespmem:s14+$0xF0]  }
0x13a: {  	v18 =	vld [tilespmem:s11+$0xFFFFFF30];
	v14 =	vshll.u32 v16, $0x7;
	[tilespmem:s7+$0xD0] =	vst v15  }
0x13b: {  	v15 =	vor.u32 v3, v14;
	v19 =	vld [tilespmem:s14+$0xFFFFFF60]  }
0x13c: {  	v14 =	vshll.u32 v17, $0x7;
	v17 =	vld [tilespmem:s14+$0xFFFFFFE0];
	[tilespmem:s7+$0x150] =	vst v11  }
0x13d: {  	v20 =	vor.u32 v3, v14;
	v11 =	vshll.u32 v13, $0x7;
	v13 =	vld [tilespmem:s14+$0x60]  }
0x13e: {  	v14 =	vor.u32 v3, v11;
	v11 =	vshll.u32 v12, $0x7;
	v21 =	vld.idx.msk [tilespmem:v9+s4+$0x0], $0xffff  }
0x13f: {  	v12 =	vshll.u32 v18, $0x7;
	v9 =	vor.u32 v7, v11;
	v18 =	vld.idx.msk [tilespmem:v10+s4+$0x0], $0xffff  }
0x140: {  	v16 =	vor.u32 v3, v12;
	v22 =	vld.idx.msk [tilespmem:v15+s13+$0x0], $0xffff;
	v10 =	vshll.u32 v19, $0x7  }
0x141: {  	v11 =	vor.u32 v6, v10;
	v10 =	vshll.u32 v17, $0x7;
	v19 =	vld.idx.msk [tilespmem:v8+s4+$0x0], $0xffff  }
0x142: {  	v23 =	vld.idx.msk [tilespmem:v20+s13+$0x0], $0xffff;
	v10 =	vor.u32 v6, v10;
	v8 =	vshll.u32 v13, $0x7  }
0x143: {  	v24 =	vld.idx.msk [tilespmem:v14+s13+$0x0], $0xffff;
	v8 =	vor.u32 v6, v8  }
0x144: {  	v12 =	vld.idx.msk [tilespmem:v9+s13+$0x0], $0xffff;
	[tilespmem:s0+$0x70] =	vst v21  }
.Ltmp0:
0x145: {  	v17 =	vld.idx.msk [tilespmem:v16+s13+$0x0], $0xffff;
	[tilespmem:s0+$0xF0] =	vst v18;
	(pc) =	sbr.rel @p3 .LBB2_3-.Ltmp0, $4  }
0x146: {  	[tilespmem:s8+$0xFFFFE1B0] =	vst v22;
	v13 =	vld.idx.msk [tilespmem:v11+s13+$0x0], $0xffff  }
0x147: {  	v18 =	vld.idx.msk [tilespmem:v15+s4+$0x0], $0xffff;
	[tilespmem:s0+$0x170] =	vst v19;
	s0 =	smov.u32 s7;
	s7 =	smov.u32 s8  }
0x148: {  	[tilespmem:s8+$0xFFFFE0B0] =	vst v23;
	v15 =	vld.idx.msk [tilespmem:v10+s13+$0x0], $0xffff  }
0x149: {  	s11 =	sadd.s32 $0x200, s11;
	v19 =	vld.idx.msk [tilespmem:v20+s4+$0x0], $0xffff;
	[tilespmem:s8+$0xFFFFE130] =	vst v24  }
0x14a: {  	_ =	sdelay $0x2  }
0x14b: {  	[tilespmem:s8+$0xFFFFE030] =	vst v17  }
0x14c: {  	v16 =	vld.idx.msk [tilespmem:v16+s4+$0x0], $0xffff;
	_ =	sdelay $0x1  }
0x14d: {  	v14 =	vld.idx.msk [tilespmem:v14+s4+$0x0], $0xffff;
	_ =	sdelay $0x1  }
0x14e: {  	[tilespmem:s8+$0x1B0] =	vst v18  }
0x14f: {  	v32 =	vld [tilespmem:s5+$0xC0];
	[tilespmem:s8+$0x30] =	vst v16  }
0x150: {  	v16 =	vld [tilespmem:s5+$0xFFFFFF40]  }
0x151: {  	[tilespmem:s8+$0x130] =	vst v14  }
0x152: {  	v14 =	vld [tilespmem:s5+$0x40]  }
0x153: {  	[tilespmem:s8+$0xB0] =	vst v19  }
0x154: {  	v33 =	vld [tilespmem:s5+$0xFFFFFFC0];
	v17 =	vshll.u32 v32, $0x7  }
0x155: {  	v17 =	vor.u32 v4, v17;
	v16 =	vshll.u32 v16, $0x7  }
0x156: {  	v16 =	vor.u32 v4, v16  }
0x157: {  	v14 =	vshll.u32 v14, $0x7  }
0x158: {  	v14 =	vor.u32 v4, v14  }
0x159: {  	v18 =	vshll.u32 v33, $0x7  }
0x15a: {  	v18 =	vor.u32 v4, v18;
	v34 =	vld.idx.msk [tilespmem:v17+s13+$0x0], $0xffff  }
0x15b: {  	v20 =	vld.idx.msk [tilespmem:v16+s13+$0x0], $0xffff;
	_ =	sdelay $0x1  }
0x15c: {  	v22 =	vld.idx.msk [tilespmem:v14+s13+$0x0], $0xffff;
	_ =	sdelay $0x1  }
0x15d: {  	v21 =	vld.idx.msk [tilespmem:v18+s13+$0x0], $0xffff;
	[tilespmem:s7+$0xFFFFE1C0] =	vst v34  }
0x15e: {  	v17 =	vld.idx.msk [tilespmem:v17+s4+$0x0], $0xffff;
	[tilespmem:s7+$0xFFFFE040] =	vst v20  }
0x15f: {  	v16 =	vld.idx.msk [tilespmem:v16+s4+$0x0], $0xffff  }
0x160: {  	[tilespmem:s7+$0xFFFFE140] =	vst v22  }
0x161: {  	v14 =	vld.idx.msk [tilespmem:v14+s4+$0x0], $0xffff  }
0x162: {  	[tilespmem:s7+$0xFFFFE0C0] =	vst v21  }
0x163: {  	v18 =	vld.idx.msk [tilespmem:v18+s4+$0x0], $0xffff;
	[tilespmem:s7+$0x1C0] =	vst v17  }
0x164: {  	v17 =	vld [tilespmem:s5+$0xD0];
	[tilespmem:s7+$0x40] =	vst v16  }
0x165: {  	v16 =	vld [tilespmem:s5+$0xFFFFFF50]  }
0x166: {  	[tilespmem:s7+$0x140] =	vst v14  }
0x167: {  	v36 =	vld [tilespmem:s5+$0x50]  }
0x168: {  	[tilespmem:s7+$0xC0] =	vst v18  }
0x169: {  	v35 =	vld [tilespmem:s5+$0xFFFFFFD0];
	v17 =	vshll.u32 v17, $0x7  }
0x16a: {  	v17 =	vor.u32 v5, v17;
	v16 =	vshll.u32 v16, $0x7  }
0x16b: {  	v16 =	vor.u32 v5, v16  }
0x16c: {  	v18 =	vshll.u32 v36, $0x7  }
0x16d: {  	v18 =	vor.u32 v5, v18  }
0x16e: {  	v14 =	vshll.u32 v35, $0x7  }
0x16f: {  	v14 =	vor.u32 v5, v14;
	v19 =	vld.idx.msk [tilespmem:v17+s13+$0x0], $0xffff  }
0x170: {  	v20 =	vld.idx.msk [tilespmem:v16+s13+$0x0], $0xffff;
	_ =	sdelay $0x1  }
0x171: {  	v22 =	vld.idx.msk [tilespmem:v18+s13+$0x0], $0xffff;
	_ =	sdelay $0x1  }
0x172: {  	v21 =	vld.idx.msk [tilespmem:v14+s13+$0x0], $0xffff;
	[tilespmem:s7+$0xFFFFE1D0] =	vst v19  }
0x173: {  	v17 =	vld.idx.msk [tilespmem:v17+s4+$0x0], $0xffff;
	[tilespmem:s7+$0xFFFFE050] =	vst v20  }
0x174: {  	v16 =	vld.idx.msk [tilespmem:v16+s4+$0x0], $0xffff  }
0x175: {  	[tilespmem:s7+$0xFFFFE150] =	vst v22  }
0x176: {  	v18 =	vld.idx.msk [tilespmem:v18+s4+$0x0], $0xffff  }
0x177: {  	[tilespmem:s7+$0xFFFFE0D0] =	vst v21  }
0x178: {  	v14 =	vld.idx.msk [tilespmem:v14+s4+$0x0], $0xffff;
	[tilespmem:s7+$0x1D0] =	vst v17  }
0x179: {  	v17 =	vld [tilespmem:s5+$0xE0];
	[tilespmem:s7+$0x50] =	vst v16  }
0x17a: {  	v37 =	vld [tilespmem:s5+$0xFFFFFF60]  }
0x17b: {  	[tilespmem:s7+$0x150] =	vst v18  }
0x17c: {  	v18 =	vld [tilespmem:s5+$0x60]  }
0x17d: {  	[tilespmem:s7+$0xD0] =	vst v14  }
0x17e: {  	v38 =	vld [tilespmem:s5+$0xFFFFFFE0];
	v17 =	vshll.u32 v17, $0x7  }
0x17f: {  	v17 =	vor.u32 v6, v17;
	v14 =	vshll.u32 v37, $0x7  }
0x180: {  	v39 =	vld.idx.msk [tilespmem:v8+s13+$0x0], $0xffff;
	v40 =	vor.u32 v6, v14  }
0x181: {  	[tilespmem:s0+$0xFFFFE060] =	vst v13;
	v42 =	vshll.u32 v18, $0x7  }
0x182: {  	v11 =	vld.idx.msk [tilespmem:v11+s4+$0x0], $0xffff;
	[tilespmem:s0+$0xFFFFE0E0] =	vst v15;
	v15 =	vor.u32 v6, v42  }
0x183: {  	v10 =	vld.idx.msk [tilespmem:v10+s4+$0x0], $0xffff;
	v41 =	vshll.u32 v38, $0x7  }
0x184: {  	v14 =	vor.u32 v6, v41;
	v43 =	vld.idx.msk [tilespmem:v17+s13+$0x0], $0xffff  }
0x185: {  	[tilespmem:s0+$0xFFFFE160] =	vst v39;
	v44 =	vld.idx.msk [tilespmem:v40+s13+$0x0], $0xffff  }
0x186: {  	v8 =	vld.idx.msk [tilespmem:v8+s4+$0x0], $0xffff  }
0x187: {  	[tilespmem:s0+$0x60] =	vst v11;
	v46 =	vld.idx.msk [tilespmem:v15+s13+$0x0], $0xffff  }
0x188: {  	v47 =	vld [tilespmem:s14+$0xFFFFFF70]  }
0x189: {  	v45 =	vld.idx.msk [tilespmem:v14+s13+$0x0], $0xffff;
	[tilespmem:s7+$0xFFFFE1E0] =	vst v43  }
0x18a: {  	v17 =	vld.idx.msk [tilespmem:v17+s4+$0x0], $0xffff;
	[tilespmem:s7+$0xFFFFE060] =	vst v44  }
0x18b: {  	[tilespmem:s0+$0x160] =	vst v8;
	v13 =	vld.idx.msk [tilespmem:v40+s4+$0x0], $0xffff  }
0x18c: {  	v49 =	vld [tilespmem:s14+$0x70];
	[tilespmem:s7+$0xFFFFE160] =	vst v46  }
0x18d: {  	[tilespmem:s0+$0xE0] =	vst v10;
	v8 =	vld.idx.msk [tilespmem:v15+s4+$0x0], $0xffff  }
0x18e: {  	v48 =	vld [tilespmem:s14+$0xFFFFFFF0];
	v10 =	vshll.u32 v47, $0x7;
	[tilespmem:s7+$0xFFFFE0E0] =	vst v45  }
0x18f: {  	v10 =	vor.u32 v7, v10;
	v14 =	vld.idx.msk [tilespmem:v14+s4+$0x0], $0xffff;
	[tilespmem:s7+$0x1E0] =	vst v17  }
0x190: {  	v50 =	vld [tilespmem:s5+$0xF0];
	[tilespmem:s7+$0x60] =	vst v13  }
0x191: {  	v11 =	vshll.u32 v49, $0x7;
	v13 =	vld [tilespmem:s5+$0xFFFFFF70]  }
0x192: {  	v11 =	vor.u32 v7, v11;
	[tilespmem:s7+$0x160] =	vst v8  }
0x193: {  	v51 =	vshll.u32 v48, $0x7;
	v52 =	vld [tilespmem:s5+$0x70]  }
0x194: {  	v53 =	vld.idx.msk [tilespmem:v10+s13+$0x0], $0xffff;
	[tilespmem:s7+$0xE0] =	vst v14;
	v14 =	vor.u32 v7, v51  }
0x195: {  	v8 =	vld [tilespmem:s5+$0xFFFFFFF0];
	v15 =	vshll.u32 v50, $0x7  }
0x196: {  	v54 =	vor.u32 v7, v15;
	v13 =	vshll.u32 v13, $0x7  }
0x197: {  	[tilespmem:s0+$0xFFFFE1F0] =	vst v12;
	v56 =	vld.idx.msk [tilespmem:v11+s13+$0x0], $0xffff;
	v13 =	vor.u32 v7, v13  }
0x198: {  	v9 =	vld.idx.msk [tilespmem:v9+s4+$0x0], $0xffff;
	v16 =	vshll.u32 v52, $0x7  }
0x199: {  	[tilespmem:s0+$0xFFFFE070] =	vst v53;
	v55 =	vld.idx.msk [tilespmem:v14+s13+$0x0], $0xffff;
	v16 =	vor.u32 v7, v16  }
0x19a: {  	v10 =	vld.idx.msk [tilespmem:v10+s4+$0x0], $0xffff;
	v8 =	vshll.u32 v8, $0x7  }
0x19b: {  	v8 =	vor.u32 v7, v8;
	v57 =	vld.idx.msk [tilespmem:v54+s13+$0x0], $0xffff  }
0x19c: {  	[tilespmem:s0+$0xFFFFE170] =	vst v56;
	v58 =	vld.idx.msk [tilespmem:v13+s13+$0x0], $0xffff  }
0x19d: {  	[tilespmem:s0+$0x1F0] =	vst v9;
	v61 =	vld.idx.msk [tilespmem:v11+s4+$0x0], $0xffff  }
0x19e: {  	[tilespmem:s0+$0xFFFFE0F0] =	vst v55;
	v60 =	vld.idx.msk [tilespmem:v16+s13+$0x0], $0xffff  }
0x19f: {  	[tilespmem:s0+$0x70] =	vst v10;
	v14 =	vld.idx.msk [tilespmem:v14+s4+$0x0], $0xffff  }
0x1a0: {  	v59 =	vld.idx.msk [tilespmem:v8+s13+$0x0], $0xffff;
	[tilespmem:s7+$0xFFFFE1F0] =	vst v57  }
0x1a1: {  	v62 =	vld.idx.msk [tilespmem:v54+s4+$0x0], $0xffff;
	[tilespmem:s7+$0xFFFFE070] =	vst v58  }
0x1a2: {  	[tilespmem:s0+$0x170] =	vst v61;
	v9 =	vld.idx.msk [tilespmem:v13+s4+$0x0], $0xffff  }
0x1a3: {  	[tilespmem:s7+$0xFFFFE170] =	vst v60  }
0x1a4: {  	[tilespmem:s0+$0xF0] =	vst v14  }
0x1a5: {  	[tilespmem:s7+$0xFFFFE0F0] =	vst v59  }
0x1a6: {  	[tilespmem:s7+$0x1F0] =	vst v62  }
0x1a7: {  	[tilespmem:s7+$0x70] =	vst v9  }
0x1a8: {  	v8 =	vld.idx.msk [tilespmem:v8+s4+$0x0], $0xffff;
	s0 =	sld [smem:$0x7FC]  }
0x1a9: {  	v63 =	vld.idx.msk [tilespmem:v16+s4+$0x0], $0xffff;
	_ =	sdelay $0x1  }
0x1aa: {  	p3 =	seq.s32 s23, $0x3F;
	p0 =	seq.s32 s0, $0x1  }
0x1ab: {  	p1 =	por p3, p0  }
0x1ac: {  	[tilespmem:s7+$0xF0] =	vst v8;
	s0 =	sshll.u32 @p1 s28, $0x18;
	s4 =	sshll.u32 @p1 s29, $0x13  }
0x1ad: {  	[tilespmem:s7+$0x170] =	vst v63;
	s0 =	sadd.s32 @p1 s4, s0;
	s4 =	sshll.u32 @p1 s12, $0xA  }
0x1ae: {  	_ =	strace $0x9000004D;
	s0 =	sadd.s32 @p1 s4, s0  }
0x1af: {  	_ =	strace @p1 $0x8000004E;
	s5 =	simm.s32 @p1 $0x400;
	s0 =	sshrl.u32 @p1 s0, $0x3  }
0x1b0: {  	s7 =	simm.s32 @p1 $0x10000;
	s4 =	sadd.s32 @p1 $0x5, s31;
	s0 =	sadd.s32 @p1 s3, s0  }
0x1b1: {  	[hbm4b:s0+s5] =	stream.strided.scatter @p1 [tilespmem:s9], [sflag:s4], $0x2000, s7, s5, $0x200038;
	[tilespmem:$0x14000] =	vst v63  }
0x1b2: {  	s8 =	sadd.s32 @p1 $0xE000, s30;
	s0 =	sadd.s32 @p1 $0x100000, s0  }
0x1b3: {  	[hbm4b:s0+s5] =	stream.strided.scatter @p1 [tilespmem:s8], [sflag:s4], $0x2000, s7, s5, $0x200038;
	[tilespmem:$0x14000] =	vst v63  }
0x1b4: {  	s0 =	sand.u32 @!p2 $0x1, s17;
	_ =	strace @p1 $0x9000004E  }
0x1b5: {  	s0 =	sadd.s32 @!p2 $0x5, s0;
	_ =	strace @!p2 $0x8000004F  }
0x1b6: {  	_ =	swait.ge @!p2 [sflag:s0], $0x4000  }
0x1b7: {  	[sflag:s0] =	ssyncset.done @!p2 $0x0  }
0x1b8: {  	[sflag:s0] =	ssyncadd.s32 @!p2 $0xFFFFC000  }
0x1b9: {  	p0 =	sne.s32 s23, $0x0;
	_ =	strace @!p2 $0x9000004F  }
0x1ba: {  	s23 =	sadd.s32 $0x1, s23;
	s0 =	simm.s32 $0x1;
	s31 =	sld [smem:$0x7FD]  }
0x1bb: {  	s0 =	simm.s32 @!p0 $0x0;
	p0 =	sne.s32 s23, $0x40  }
.Ltmp1:
0x1bc: {  	s28 =	smov.u32 s24;
	(pc) =	sbr.rel @p0 .LBB2_2-.Ltmp1, $4  }
0x1bd: {  	s29 =	smov.u32 s26;
	s4 =	simm.s32 $0x1;
	p6 =	seq.s32 s31, $0x1  }
0x1be: {  	s5 =	simm.s32 $0x1;
	s4 =	simm.s32 @!p1 $0x0;
	p1 =	por p3, p6  }
0x1bf: {  	s7 =	smov.u32 s25;
	s18 =	sadd.s32 s4, s18;
	s5 =	simm.s32 @!p1 $0x0  }
0x1c0: {  	s21 =	sadd.s32 s4, s21;
	s17 =	sadd.s32 s0, s17;
	s19 =	sadd.s32 s5, s19  }
0x1c1: {  	_ =	strace $0x80000050  }
0x1c2: {  	_ =	swait.ge [sflag:s15], $0x4000  }
0x1c3: {  	s16 =	sadd.s32 $0x1, s16;
	s0 =	rddreg [dreg:$0x6]  }
0x1c4: {  	p0 =	sne.s32 s16, s0  }
.Ltmp2:
0x1c5: {  	_ = 	snop;
	(pc) =	sbr.rel @p0 .LBB2_1-.Ltmp2, $4  }
0x1c6: {  	_ = 	snop  }
0x1c7: {  	[sflag:s15] =	ssyncset.done $0x0  }
0x1c8: {  	[sflag:s15] =	ssyncadd.s32 $0xFFFFC000  }
0x1c9: {  	_ =	strace $0x90000050  }
0x1ca: {  	_ =	sfence.sel $0x180000  }
0x1cb: {  	[bflag:$0x0] =	sbarrier.arrive $0xFFFF  }
0x1cc: {  	_ =	strace $0x90000047  }
0x1cd: {  	s0 =	stileid.u32;
	[bflag:$0x2] =	sbarrier.arrive $0xFFFF  }
0x1ce: {  	p0 =	sne.s32 s0, $0x0;
	s0 =	rddreg [dreg:$0x3]  }
0x1cf: {  	s0 =	sadd.s32 @!p0 $0x100000, s0  }
0x1d0: {  	[sflag:s0] =	ssyncadd.tile.s32 @!p0 $0x1;
	_ =	shalt  }
.Lfunc_end2:
_tile_overlayer_lowered:
.L_overlay_start_2:
0x1d1: {  	(tag) =	ssettag $0x2  }
0x1d2: {  	s0 =	rddreg [dreg:$0x0];
	s2 =	stileid.u32  }
0x1d3: {  	s1 =	rddreg [dreg:$0x1];
	p0 =	sne.s32 s2, $0x0  }
0x1d4: {  	s3 =	rddreg [dreg:$0x2];
	[bflag:$0x3] =	sbarrier.arrive $0xFFFF;
	s2 =	simm.s32 @!p0 $0x1C01  }
0x1d5: {  	[timem:s3], [sflag:s2] =	dma.local @!p0 [hbm:s0], s1  }
0x1d6: {  	s0 =	simm.s32 @!p0 $0x1  }
0x1d7: {  	_ =	swait.ge @!p0 [sflag:s0], s1  }
0x1d8: {  	s1 =	ssub.s32 @!p0 $0x0, s1;
	[sflag:s0] =	ssyncset.done @!p0 $0x0  }
0x1d9: {  	[sflag:s0] =	ssyncadd.s32 @!p0 s1  }
0x1da: {  	[bflag:$0x3] =	sbarrier.arrive $0xFFFF  }
0x1db: {  	_ =	shalt  }

</sc_bundles>
